<compile_context>
chip_gen: v7x
topology: tpu7x:2x2x1
jax: 0.10.2.dev20260603
libtpu: 0.0.44.dev20260713+nightly
codegen_flags: <defaults>
</compile_context>

<pallas_src>
import functools

import jax
import jax.numpy as jnp
from jax import lax
from jax.experimental import pallas as pl
from jax.experimental.pallas import tpu as pltpu
from jax.experimental.pallas import tpu_sc as plsc

LANES = 16
N_CORES = 2
N_SUBCORES = 16
N_WORKERS = N_CORES * N_SUBCORES

N_EDGE = 3_200_000
EDGES_PER_WORKER = N_EDGE // N_WORKERS
CHUNK = 2000
N_CHUNKS = EDGES_PER_WORKER // CHUNK
VREGS_PER_CHUNK = CHUNK // LANES
UNROLL = 1

N_BCH = 100
BINS = 128
ACC = LANES * BINS

N_ELEM = 16
ELM_WORDS = 100 * 1000

_MAGIC = 0x5F3759DF


def _sc_body(elm_hbm, n_hbm, i_hbm, j_hbm, sod_hbm, k2_hbm, r2_hbm,
             out_hbm, elm_v, k2_v, r2_v, acc_v,
             n_v0, i_v0, j_v0, s_v0, n_v1, i_v1, j_v1, s_v1,
             sem0, sem1):
    wid = lax.axis_index("s") * N_CORES + lax.axis_index("c")
    edge0 = wid * EDGES_PER_WORKER
    sems = (sem0, sem1)
    bufs = ((n_v0, i_v0, j_v0, s_v0), (n_v1, i_v1, j_v1, s_v1))


    zeros16 = jnp.zeros((LANES,), jnp.float32)

    def zero_body(t, carry):
        acc_v[pl.ds(t * LANES, LANES)] = zeros16
        return carry

    lax.fori_loop(0, ACC // LANES, zero_body, 0)

    lane_base = lax.iota(jnp.int32, LANES) * BINS
    half = jnp.float32(0.5)
    threehalf = jnp.float32(1.5)

    def copies(c, p):
        base = edge0 + c * CHUNK
        sl = pl.ds(base, CHUNK)
        nb, ib, jb, sb = bufs[p]
        return (
            pltpu.make_async_copy(n_hbm.at[sl], nb, sems[p]),
            pltpu.make_async_copy(i_hbm.at[sl], ib, sems[p]),
            pltpu.make_async_copy(j_hbm.at[sl], jb, sems[p]),
            pltpu.make_async_copy(sod_hbm.at[sl], sb, sems[p]),
        )

    def start_chunk(c, p):
        for cp in copies(c, p):
            cp.start()

    def wait_chunk(c, p):
        for cp in copies(c, p):
            cp.wait()

    def compute(p):
        nb, ib, jb, sb = bufs[p]

        def vec_body(t):
            o0 = t * (LANES * UNROLL)
            for u in range(UNROLL):
                o = o0 + u * LANES
                n16 = nb[pl.ds(o, LANES)]
                i16 = ib[pl.ds(o, LANES)]
                j16 = jb[pl.ds(o, LANES)]
                x = sb[pl.ds(o, LANES)]

                nbase = n16 * 1000
                ei = plsc.load_gather(elm_v, [nbase + i16])
                ej = plsc.load_gather(elm_v, [nbase + j16])
                k = (jnp.take_along_axis(kv, ei, axis=0)
                     + jnp.take_along_axis(kv, ej, axis=0))
                r = (jnp.take_along_axis(rv, ei, axis=0)
                     + jnp.take_along_axis(rv, ej, axis=0))

                y = plsc.bitcast(jnp.int32(_MAGIC) - lax.shift_right_logical(
                    plsc.bitcast(x, jnp.int32), 1), jnp.float32)
                xh = half * x
                y = y * (threehalf - xh * y * y)
                y = y * (threehalf - xh * y * y)
                dis = x * y

                d = dis - r
                e = k * d * d
                e = jnp.where(dis < r, e, zeros16)
                plsc.addupdate_scatter(acc_v, [lane_base + n16], e)

        plsc.parallel_loop(0, VREGS_PER_CHUNK // UNROLL, unroll=5)(vec_body)

    start_chunk(0, 0)
    start_chunk(1, 1)
    pltpu.sync_copy(elm_hbm, elm_v)
    pltpu.sync_copy(k2_hbm, k2_v)
    pltpu.sync_copy(r2_hbm, r2_v)
    kv = k2_v[pl.ds(0, LANES)]
    rv = r2_v[pl.ds(0, LANES)]

    def pair_body(cp, carry):
        c0 = 2 * cp

        @pl.when(cp > 0)
        def _():
            start_chunk(c0 + 1, 1)

        wait_chunk(c0, 0)
        compute(0)

        @pl.when(c0 + 2 < N_CHUNKS)
        def _():
            start_chunk(c0 + 2, 0)

        wait_chunk(c0 + 1, 1)
        compute(1)
        return carry

    lax.fori_loop(0, N_CHUNKS // 2, pair_body, 0)
    pltpu.sync_copy(acc_v, out_hbm.at[wid])


_mesh = plsc.VectorSubcoreMesh(core_axis_name="c", subcore_axis_name="s")

_sc_kernel = functools.partial(
    pl.kernel,
    mesh=_mesh,
    compiler_params=pltpu.CompilerParams(needs_layout_passes=False),
    out_type=jax.ShapeDtypeStruct((N_WORKERS, ACC), jnp.float32),
    scratch_types=[
        pltpu.VMEM((ELM_WORDS,), jnp.int32),
        pltpu.VMEM((N_ELEM,), jnp.float32),
        pltpu.VMEM((N_ELEM,), jnp.float32),
        pltpu.VMEM((ACC,), jnp.float32),
        pltpu.VMEM((CHUNK,), jnp.int32),
        pltpu.VMEM((CHUNK,), jnp.int32),
        pltpu.VMEM((CHUNK,), jnp.int32),
        pltpu.VMEM((CHUNK,), jnp.float32),
        pltpu.VMEM((CHUNK,), jnp.int32),
        pltpu.VMEM((CHUNK,), jnp.int32),
        pltpu.VMEM((CHUNK,), jnp.int32),
        pltpu.VMEM((CHUNK,), jnp.float32),
        pltpu.SemaphoreType.DMA,
        pltpu.SemaphoreType.DMA,
    ],
)(_sc_body)


def kernel(elm, n_idx, i_idx, j_idx, sod, k_buf, radius_buf):
    n_bch, n_atm = elm.shape
    elm_flat = elm.reshape(-1).astype(jnp.int32)
    partials = _sc_kernel(
        elm_flat,
        n_idx.astype(jnp.int32),
        i_idx.astype(jnp.int32),
        j_idx.astype(jnp.int32),
        sod.astype(jnp.float32),
        k_buf.astype(jnp.float32),
        radius_buf.astype(jnp.float32),
    )
    eng = partials.reshape(N_WORKERS * LANES, BINS).sum(axis=0)
    return eng[:n_bch]

# --- scband reference (transcript-rebuilt; emitter-appended) ---
"""Pipeline reference for scband-close-penalty-59304908423819 (READ-ONLY COPY).

The authoritative reference and input builder live on the scoring server;
editing this copy changes nothing except your own understanding.
"""

import jax, jax.numpy as jnp
import numpy as np

N_BCH = 100
N_ATM = 1000
N_EDGE = 3200000
N_ELEM = 16


def setup_inputs(seed: int = 0) -> dict:
    key = jax.random.key(seed)
    k0, k1, k2, k3, k4, k5, k6 = jax.random.split(key, 7)
    elm = jax.random.randint(k0, (N_BCH, N_ATM), 0, N_ELEM)
    n_idx = jax.random.randint(k1, (N_EDGE,), 0, N_BCH)
    i_idx = jax.random.randint(k2, (N_EDGE,), 0, N_ATM)
    j_idx = jax.random.randint(k3, (N_EDGE,), 0, N_ATM)
    # squared distances; keep strictly positive so sqrt is smooth
    sod = jax.random.uniform(k4, (N_EDGE,), dtype=jnp.float32, minval=0.01, maxval=4.0)
    # registered buffers from __init__ (per-element-type constants)
    k_buf = jnp.full((N_ELEM,), 1.0, dtype=jnp.float32)
    radius_buf = jnp.full((N_ELEM,), 0.5, dtype=jnp.float32)
    return {
        'elm': elm,
        'n_idx': n_idx,
        'i_idx': i_idx,
        'j_idx': j_idx,
        'sod': sod,
        'k_buf': k_buf,
        'radius_buf': radius_buf,
    }


def reference(elm, n_idx, i_idx, j_idx, sod, k_buf, radius_buf):
    # ei = inp[elm][n, i]; ej = inp[elm][n, j]
    ei = elm[n_idx, i_idx]
    ej = elm[n_idx, j_idx]
    dis = jnp.sqrt(sod)
    k = k_buf[ei] + k_buf[ej]
    R = radius_buf[ei] + radius_buf[ej]
    mask = (dis < R).astype(sod.dtype)
    eng_bnd = k * jnp.power(dis - R, 2) * mask
    n_bch, n_atm = elm.shape
    # torch.index_add(zeros(n_bch*n_atm), 0, n*n_atm + i, eng_bnd)
    flat_idx = n_idx * n_atm + i_idx
    eng_atm = jnp.zeros((n_bch * n_atm,), dtype=sod.dtype).at[flat_idx].add(eng_bnd)
    eng_atm = eng_atm.reshape((n_bch, n_atm))
    eng_mol = eng_atm.sum(axis=1)
    return eng_mol

if __name__ == "__main__":
    import jax
    _d = setup_inputs()
    print(jax.jit(kernel)(*tuple(_d.values())))

</pallas_src>

<mosaic_0001>
#map = affine_map<(d0, d1) -> (0)>
#map1 = affine_map<(d0, d1) -> (0, 0)>
module attributes {stable_mosaic.version = 14 : i64} {
  func.func @_sc_body(%arg0: i32, %arg1: i32, %arg2: memref<100000xi32, #tpu.memory_space<hbm>>, %arg3: memref<3200000xi32, #tpu.memory_space<hbm>>, %arg4: memref<3200000xi32, #tpu.memory_space<hbm>>, %arg5: memref<3200000xi32, #tpu.memory_space<hbm>>, %arg6: memref<3200000xf32, #tpu.memory_space<hbm>>, %arg7: memref<16xf32, #tpu.memory_space<hbm>>, %arg8: memref<16xf32, #tpu.memory_space<hbm>>, %arg9: memref<32x2048xf32, #tpu.memory_space<hbm>>, %arg10: memref<100000xi32, #tpu.memory_space<vmem>>, %arg11: memref<16xf32, #tpu.memory_space<vmem>>, %arg12: memref<16xf32, #tpu.memory_space<vmem>>, %arg13: memref<2048xf32, #tpu.memory_space<vmem>>, %arg14: memref<2000xi32, #tpu.memory_space<vmem>>, %arg15: memref<2000xi32, #tpu.memory_space<vmem>>, %arg16: memref<2000xi32, #tpu.memory_space<vmem>>, %arg17: memref<2000xf32, #tpu.memory_space<vmem>>, %arg18: memref<2000xi32, #tpu.memory_space<vmem>>, %arg19: memref<2000xi32, #tpu.memory_space<vmem>>, %arg20: memref<2000xi32, #tpu.memory_space<vmem>>, %arg21: memref<2000xf32, #tpu.memory_space<vmem>>, %arg22: memref<!tpu.dma_semaphore, #tpu.memory_space<semaphore_mem>>, %arg23: memref<!tpu.dma_semaphore, #tpu.memory_space<semaphore_mem>>) attributes {dimension_semantics = [#tpu.dimension_semantics<core_parallel>, #tpu.dimension_semantics<subcore_parallel>], iteration_bounds = array<i64: 2, 16>, scalar_prefetch = 0 : i64, scratch_operands = 14 : i64, tpu.core_type = #tpu.core_type<sc_vector_subcore>, window_params = [{transform_indices = #map}, {transform_indices = #map}, {transform_indices = #map}, {transform_indices = #map}, {transform_indices = #map}, {transform_indices = #map}, {transform_indices = #map}, {transform_indices = #map1}]} {
    %mul3A = arith.constant 2 : i32
    %mul3A_0 = arith.muli %arg1, %mul3A : i32
    %add3A = arith.addi %mul3A_0, %arg0 : i32
    %mul3A_1 = arith.constant 100000 : i32
    %mul3A_2 = arith.muli %add3A, %mul3A_1 : i32
    %broadcast_in_dim3A = arith.constant 0.000000e+00 : f32
    %broadcast_in_dim3A_3 = vector.broadcast %broadcast_in_dim3A : f32 to vector<16xf32>
    %scan3A = arith.constant 0 : i32
    %scan3A_4 = arith.constant 0 : i32
    %scan3A_5 = arith.constant 128 : i32
    %scan3A_6 = arith.addi %scan3A_4, %scan3A_5 : i32
    %scan3A_7 = arith.constant 1 : i32
    scf.for %scan3A_42 = %scan3A_4 to %scan3A_6 step %scan3A_7  : i32 {
      %mul3A_43 = arith.constant 16 : i32
      %mul3A_44 = arith.muli %scan3A_42, %mul3A_43 : i32
      %swap3A = arith.index_cast %mul3A_44 : i32 to index
      %swap3A_45 = tpu.vector_load %arg13[%swap3A] {strides = array<i32>} : memref<2048xf32, #tpu.memory_space<vmem>>, vector<16xf32>,
      tpu.vector_store %arg13[%swap3A], %broadcast_in_dim3A_3 {strides = array<i32>} : memref<2048xf32, #tpu.memory_space<vmem>>, vector<16xf32>,
    }
    %scan3A_8 = arith.constant 128 : i32
    %iota3A = tpu.iota {dimensions = array<i32: 0>} : vector<16xi32>
    %mul3A_9 = arith.constant 128 : i32
    %mul3A_10 = vector.broadcast %mul3A_9 : i32 to vector<16xi32>
    %mul3A_11 = arith.muli %iota3A, %mul3A_10 : vector<16xi32>
    %add3A_12 = arith.constant 0 : i32
    %add3A_13 = arith.addi %mul3A_2, %add3A_12 : i32
    %dma_start3A = tpu.memref_slice %arg3[%add3A_13] : memref<3200000xi32, #tpu.memory_space<hbm>> -> memref<2000xi32, #tpu.memory_space<hbm>>
    %dma_start3A_14 = tpu.memref_slice %arg3[%add3A_13] : memref<3200000xi32, #tpu.memory_space<hbm>> -> memref<2000xi32, #tpu.memory_space<hbm>>
    tpu.enqueue_dma source(%dma_start3A_14 : memref<2000xi32, #tpu.memory_space<hbm>>) target(%arg14 : memref<2000xi32, #tpu.memory_space<vmem>>) target_semaphore(%arg22 : memref<!tpu.dma_semaphore, #tpu.memory_space<semaphore_mem>>)
    %dma_start3A_15 = tpu.memref_slice %arg4[%add3A_13] : memref<3200000xi32, #tpu.memory_space<hbm>> -> memref<2000xi32, #tpu.memory_space<hbm>>
    %dma_start3A_16 = tpu.memref_slice %arg4[%add3A_13] : memref<3200000xi32, #tpu.memory_space<hbm>> -> memref<2000xi32, #tpu.memory_space<hbm>>
    tpu.enqueue_dma source(%dma_start3A_16 : memref<2000xi32, #tpu.memory_space<hbm>>) target(%arg15 : memref<2000xi32, #tpu.memory_space<vmem>>) target_semaphore(%arg22 : memref<!tpu.dma_semaphore, #tpu.memory_space<semaphore_mem>>)
    %dma_start3A_17 = tpu.memref_slice %arg5[%add3A_13] : memref<3200000xi32, #tpu.memory_space<hbm>> -> memref<2000xi32, #tpu.memory_space<hbm>>
    %dma_start3A_18 = tpu.memref_slice %arg5[%add3A_13] : memref<3200000xi32, #tpu.memory_space<hbm>> -> memref<2000xi32, #tpu.memory_space<hbm>>
    tpu.enqueue_dma source(%dma_start3A_18 : memref<2000xi32, #tpu.memory_space<hbm>>) target(%arg16 : memref<2000xi32, #tpu.memory_space<vmem>>) target_semaphore(%arg22 : memref<!tpu.dma_semaphore, #tpu.memory_space<semaphore_mem>>)
    %dma_start3A_19 = tpu.memref_slice %arg6[%add3A_13] : memref<3200000xf32, #tpu.memory_space<hbm>> -> memref<2000xf32, #tpu.memory_space<hbm>>
    %dma_start3A_20 = tpu.memref_slice %arg6[%add3A_13] : memref<3200000xf32, #tpu.memory_space<hbm>> -> memref<2000xf32, #tpu.memory_space<hbm>>
    tpu.enqueue_dma source(%dma_start3A_20 : memref<2000xf32, #tpu.memory_space<hbm>>) target(%arg17 : memref<2000xf32, #tpu.memory_space<vmem>>) target_semaphore(%arg22 : memref<!tpu.dma_semaphore, #tpu.memory_space<semaphore_mem>>)
    %add3A_21 = arith.constant 2000 : i32
    %add3A_22 = arith.addi %mul3A_2, %add3A_21 : i32
    %dma_start3A_23 = tpu.memref_slice %arg3[%add3A_22] : memref<3200000xi32, #tpu.memory_space<hbm>> -> memref<2000xi32, #tpu.memory_space<hbm>>
    %dma_start3A_24 = tpu.memref_slice %arg3[%add3A_22] : memref<3200000xi32, #tpu.memory_space<hbm>> -> memref<2000xi32, #tpu.memory_space<hbm>>
    tpu.enqueue_dma source(%dma_start3A_24 : memref<2000xi32, #tpu.memory_space<hbm>>) target(%arg18 : memref<2000xi32, #tpu.memory_space<vmem>>) target_semaphore(%arg23 : memref<!tpu.dma_semaphore, #tpu.memory_space<semaphore_mem>>)
    %dma_start3A_25 = tpu.memref_slice %arg4[%add3A_22] : memref<3200000xi32, #tpu.memory_space<hbm>> -> memref<2000xi32, #tpu.memory_space<hbm>>
    %dma_start3A_26 = tpu.memref_slice %arg4[%add3A_22] : memref<3200000xi32, #tpu.memory_space<hbm>> -> memref<2000xi32, #tpu.memory_space<hbm>>
    tpu.enqueue_dma source(%dma_start3A_26 : memref<2000xi32, #tpu.memory_space<hbm>>) target(%arg19 : memref<2000xi32, #tpu.memory_space<vmem>>) target_semaphore(%arg23 : memref<!tpu.dma_semaphore, #tpu.memory_space<semaphore_mem>>)
    %dma_start3A_27 = tpu.memref_slice %arg5[%add3A_22] : memref<3200000xi32, #tpu.memory_space<hbm>> -> memref<2000xi32, #tpu.memory_space<hbm>>
    %dma_start3A_28 = tpu.memref_slice %arg5[%add3A_22] : memref<3200000xi32, #tpu.memory_space<hbm>> -> memref<2000xi32, #tpu.memory_space<hbm>>
    tpu.enqueue_dma source(%dma_start3A_28 : memref<2000xi32, #tpu.memory_space<hbm>>) target(%arg20 : memref<2000xi32, #tpu.memory_space<vmem>>) target_semaphore(%arg23 : memref<!tpu.dma_semaphore, #tpu.memory_space<semaphore_mem>>)
    %dma_start3A_29 = tpu.memref_slice %arg6[%add3A_22] : memref<3200000xf32, #tpu.memory_space<hbm>> -> memref<2000xf32, #tpu.memory_space<hbm>>
    %dma_start3A_30 = tpu.memref_slice %arg6[%add3A_22] : memref<3200000xf32, #tpu.memory_space<hbm>> -> memref<2000xf32, #tpu.memory_space<hbm>>
    tpu.enqueue_dma source(%dma_start3A_30 : memref<2000xf32, #tpu.memory_space<hbm>>) target(%arg21 : memref<2000xf32, #tpu.memory_space<vmem>>) target_semaphore(%arg23 : memref<!tpu.dma_semaphore, #tpu.memory_space<semaphore_mem>>)
    "tpu.region"() ({
      %run_scoped3A = tpu.sem_alloc : memref<!tpu.dma_semaphore, #tpu.memory_space<semaphore_mem>>
      tpu.enqueue_dma source(%arg2 : memref<100000xi32, #tpu.memory_space<hbm>>) target(%arg10 : memref<100000xi32, #tpu.memory_space<vmem>>) target_semaphore(%run_scoped3A : memref<!tpu.dma_semaphore, #tpu.memory_space<semaphore_mem>>)
      tpu.wait_dma2 semaphore(%run_scoped3A : memref<!tpu.dma_semaphore, #tpu.memory_space<semaphore_mem>>) src(%arg2 : memref<100000xi32, #tpu.memory_space<hbm>>) dst(%arg10 : memref<100000xi32, #tpu.memory_space<vmem>>)
      tpu.yield
    }) : () -> ()
    "tpu.region"() ({
      %run_scoped3A = tpu.sem_alloc : memref<!tpu.dma_semaphore, #tpu.memory_space<semaphore_mem>>
      tpu.enqueue_dma source(%arg7 : memref<16xf32, #tpu.memory_space<hbm>>) target(%arg11 : memref<16xf32, #tpu.memory_space<vmem>>) target_semaphore(%run_scoped3A : memref<!tpu.dma_semaphore, #tpu.memory_space<semaphore_mem>>)
      tpu.wait_dma2 semaphore(%run_scoped3A : memref<!tpu.dma_semaphore, #tpu.memory_space<semaphore_mem>>) src(%arg7 : memref<16xf32, #tpu.memory_space<hbm>>) dst(%arg11 : memref<16xf32, #tpu.memory_space<vmem>>)
      tpu.yield
    }) : () -> ()
    "tpu.region"() ({
      %run_scoped3A = tpu.sem_alloc : memref<!tpu.dma_semaphore, #tpu.memory_space<semaphore_mem>>
      tpu.enqueue_dma source(%arg8 : memref<16xf32, #tpu.memory_space<hbm>>) target(%arg12 : memref<16xf32, #tpu.memory_space<vmem>>) target_semaphore(%run_scoped3A : memref<!tpu.dma_semaphore, #tpu.memory_space<semaphore_mem>>)
      tpu.wait_dma2 semaphore(%run_scoped3A : memref<!tpu.dma_semaphore, #tpu.memory_space<semaphore_mem>>) src(%arg8 : memref<16xf32, #tpu.memory_space<hbm>>) dst(%arg12 : memref<16xf32, #tpu.memory_space<vmem>>)
      tpu.yield
    }) : () -> ()
    %get3A = arith.constant 0 : index
    %get3A_31 = tpu.vector_load %arg11[%get3A] {strides = array<i32>} : memref<16xf32, #tpu.memory_space<vmem>>, vector<16xf32>,
    %get3A_32 = arith.constant 0 : index
    %get3A_33 = tpu.vector_load %arg12[%get3A_32] {strides = array<i32>} : memref<16xf32, #tpu.memory_space<vmem>>, vector<16xf32>,
    %scan3A_34 = arith.constant 0 : i32
    %scan3A_35 = arith.constant 5.000000e-01 : f32
    %scan3A_36 = arith.constant 1.500000e+00 : f32
    %scan3A_37 = arith.constant 0 : i32
    %scan3A_38 = arith.constant 25 : i32
    %scan3A_39 = arith.addi %scan3A_37, %scan3A_38 : i32
    %scan3A_40 = arith.constant 1 : i32
    scf.for %scan3A_42 = %scan3A_37 to %scan3A_39 step %scan3A_40  : i32 {
      %mul3A_43 = arith.constant 2 : i32
      %mul3A_44 = arith.muli %mul3A_43, %scan3A_42 : i32
      %gt3A = arith.constant 0 : i32
      %gt3A_45 = arith.cmpi sgt, %scan3A_42, %gt3A : i32
      %convert_element_type3A = arith.extui %gt3A_45 : i1 to i32
      %cond3A = arith.constant 0 : i32
      %cond3A_46 = arith.cmpi ne, %convert_element_type3A, %cond3A : i32
      scf.if %cond3A_46 {
        %add3A_81 = arith.constant 1 : i32
        %add3A_82 = arith.addi %mul3A_44, %add3A_81 : i32
        %mul3A_83 = arith.constant 2000 : i32
        %mul3A_84 = arith.muli %add3A_82, %mul3A_83 : i32
        %add3A_85 = arith.addi %mul3A_2, %mul3A_84 : i32
        %dma_start3A_86 = tpu.memref_slice %arg3[%add3A_85] : memref<3200000xi32, #tpu.memory_space<hbm>> -> memref<2000xi32, #tpu.memory_space<hbm>>
        %dma_start3A_87 = tpu.memref_slice %arg3[%add3A_85] : memref<3200000xi32, #tpu.memory_space<hbm>> -> memref<2000xi32, #tpu.memory_space<hbm>>
        tpu.enqueue_dma source(%dma_start3A_87 : memref<2000xi32, #tpu.memory_space<hbm>>) target(%arg18 : memref<2000xi32, #tpu.memory_space<vmem>>) target_semaphore(%arg23 : memref<!tpu.dma_semaphore, #tpu.memory_space<semaphore_mem>>)
        %dma_start3A_88 = tpu.memref_slice %arg4[%add3A_85] : memref<3200000xi32, #tpu.memory_space<hbm>> -> memref<2000xi32, #tpu.memory_space<hbm>>
        %dma_start3A_89 = tpu.memref_slice %arg4[%add3A_85] : memref<3200000xi32, #tpu.memory_space<hbm>> -> memref<2000xi32, #tpu.memory_space<hbm>>
        tpu.enqueue_dma source(%dma_start3A_89 : memref<2000xi32, #tpu.memory_space<hbm>>) target(%arg19 : memref<2000xi32, #tpu.memory_space<vmem>>) target_semaphore(%arg23 : memref<!tpu.dma_semaphore, #tpu.memory_space<semaphore_mem>>)
        %dma_start3A_90 = tpu.memref_slice %arg5[%add3A_85] : memref<3200000xi32, #tpu.memory_space<hbm>> -> memref<2000xi32, #tpu.memory_space<hbm>>
        %dma_start3A_91 = tpu.memref_slice %arg5[%add3A_85] : memref<3200000xi32, #tpu.memory_space<hbm>> -> memref<2000xi32, #tpu.memory_space<hbm>>
        tpu.enqueue_dma source(%dma_start3A_91 : memref<2000xi32, #tpu.memory_space<hbm>>) target(%arg20 : memref<2000xi32, #tpu.memory_space<vmem>>) target_semaphore(%arg23 : memref<!tpu.dma_semaphore, #tpu.memory_space<semaphore_mem>>)
        %dma_start3A_92 = tpu.memref_slice %arg6[%add3A_85] : memref<3200000xf32, #tpu.memory_space<hbm>> -> memref<2000xf32, #tpu.memory_space<hbm>>
        %dma_start3A_93 = tpu.memref_slice %arg6[%add3A_85] : memref<3200000xf32, #tpu.memory_space<hbm>> -> memref<2000xf32, #tpu.memory_space<hbm>>
        tpu.enqueue_dma source(%dma_start3A_93 : memref<2000xf32, #tpu.memory_space<hbm>>) target(%arg21 : memref<2000xf32, #tpu.memory_space<vmem>>) target_semaphore(%arg23 : memref<!tpu.dma_semaphore, #tpu.memory_space<semaphore_mem>>)
      } else {
      }
      %mul3A_47 = arith.constant 2000 : i32
      %mul3A_48 = arith.muli %mul3A_44, %mul3A_47 : i32
      %add3A_49 = arith.addi %mul3A_2, %mul3A_48 : i32
      %dma_wait3A = tpu.memref_slice %arg3[%add3A_49] : memref<3200000xi32, #tpu.memory_space<hbm>> -> memref<2000xi32, #tpu.memory_space<hbm>>
      %dma_wait3A_50 = tpu.memref_slice %arg3[%add3A_49] : memref<3200000xi32, #tpu.memory_space<hbm>> -> memref<2000xi32, #tpu.memory_space<hbm>>
      tpu.wait_dma2 semaphore(%arg22 : memref<!tpu.dma_semaphore, #tpu.memory_space<semaphore_mem>>) src(%dma_wait3A_50 : memref<2000xi32, #tpu.memory_space<hbm>>) dst(%arg14 : memref<2000xi32, #tpu.memory_space<vmem>>)
      %dma_wait3A_51 = tpu.memref_slice %arg4[%add3A_49] : memref<3200000xi32, #tpu.memory_space<hbm>> -> memref<2000xi32, #tpu.memory_space<hbm>>
      %dma_wait3A_52 = tpu.memref_slice %arg4[%add3A_49] : memref<3200000xi32, #tpu.memory_space<hbm>> -> memref<2000xi32, #tpu.memory_space<hbm>>
      tpu.wait_dma2 semaphore(%arg22 : memref<!tpu.dma_semaphore, #tpu.memory_space<semaphore_mem>>) src(%dma_wait3A_52 : memref<2000xi32, #tpu.memory_space<hbm>>) dst(%arg15 : memref<2000xi32, #tpu.memory_space<vmem>>)
      %dma_wait3A_53 = tpu.memref_slice %arg5[%add3A_49] : memref<3200000xi32, #tpu.memory_space<hbm>> -> memref<2000xi32, #tpu.memory_space<hbm>>
      %dma_wait3A_54 = tpu.memref_slice %arg5[%add3A_49] : memref<3200000xi32, #tpu.memory_space<hbm>> -> memref<2000xi32, #tpu.memory_space<hbm>>
      tpu.wait_dma2 semaphore(%arg22 : memref<!tpu.dma_semaphore, #tpu.memory_space<semaphore_mem>>) src(%dma_wait3A_54 : memref<2000xi32, #tpu.memory_space<hbm>>) dst(%arg16 : memref<2000xi32, #tpu.memory_space<vmem>>)
      %dma_wait3A_55 = tpu.memref_slice %arg6[%add3A_49] : memref<3200000xf32, #tpu.memory_space<hbm>> -> memref<2000xf32, #tpu.memory_space<hbm>>
      %dma_wait3A_56 = tpu.memref_slice %arg6[%add3A_49] : memref<3200000xf32, #tpu.memory_space<hbm>> -> memref<2000xf32, #tpu.memory_space<hbm>>
      tpu.wait_dma2 semaphore(%arg22 : memref<!tpu.dma_semaphore, #tpu.memory_space<semaphore_mem>>) src(%dma_wait3A_56 : memref<2000xf32, #tpu.memory_space<hbm>>) dst(%arg17 : memref<2000xf32, #tpu.memory_space<vmem>>)
      %parallel_loop3A = arith.constant 0 : i32
      %parallel_loop3A_57 = arith.constant 125 : i32
      %parallel_loop3A_58 = arith.constant 1 : i32
      scf.for %parallel_loop3A_81 = %parallel_loop3A to %parallel_loop3A_57 step %parallel_loop3A_58  : i32 {
        %parallel_loop3A_82 = arith.constant 16 : i32
        %parallel_loop3A_83 = arith.muli %parallel_loop3A_81, %parallel_loop3A_82 : i32
        %parallel_loop3A_84 = arith.constant 0 : i32
        %parallel_loop3A_85 = arith.addi %parallel_loop3A_83, %parallel_loop3A_84 : i32
        %parallel_loop3A_86 = arith.index_cast %parallel_loop3A_85 : i32 to index
        %parallel_loop3A_87 = tpu.vector_load %arg14[%parallel_loop3A_86] {strides = array<i32>} : memref<2000xi32, #tpu.memory_space<vmem>>, vector<16xi32>,
        %parallel_loop3A_88 = arith.index_cast %parallel_loop3A_85 : i32 to index
        %parallel_loop3A_89 = tpu.vector_load %arg15[%parallel_loop3A_88] {strides = array<i32>} : memref<2000xi32, #tpu.memory_space<vmem>>, vector<16xi32>,
        %parallel_loop3A_90 = arith.index_cast %parallel_loop3A_85 : i32 to index
        %parallel_loop3A_91 = tpu.vector_load %arg16[%parallel_loop3A_90] {strides = array<i32>} : memref<2000xi32, #tpu.memory_space<vmem>>, vector<16xi32>,
        %parallel_loop3A_92 = arith.index_cast %parallel_loop3A_85 : i32 to index
        %parallel_loop3A_93 = tpu.vector_load %arg17[%parallel_loop3A_92] {strides = array<i32>} : memref<2000xf32, #tpu.memory_space<vmem>>, vector<16xf32>,
        %parallel_loop3A_94 = arith.constant 1000 : i32
        %parallel_loop3A_95 = vector.broadcast %parallel_loop3A_94 : i32 to vector<16xi32>
        %parallel_loop3A_96 = arith.muli %parallel_loop3A_87, %parallel_loop3A_95 : vector<16xi32>
        %parallel_loop3A_97 = arith.addi %parallel_loop3A_96, %parallel_loop3A_89 : vector<16xi32>
        %parallel_loop3A_98 = tpu.vector_load_idx %arg10[%parallel_loop3A_97] : memref<100000xi32, #tpu.memory_space<vmem>>[vector<16xi32>], vector<16xi32>,
        %parallel_loop3A_99 = arith.addi %parallel_loop3A_96, %parallel_loop3A_91 : vector<16xi32>
        %parallel_loop3A_100 = tpu.vector_load_idx %arg10[%parallel_loop3A_99] : memref<100000xi32, #tpu.memory_space<vmem>>[vector<16xi32>], vector<16xi32>,
        %parallel_loop3A_101 = arith.constant 0 : i32
        %parallel_loop3A_102 = vector.broadcast %parallel_loop3A_101 : i32 to vector<16xi32>
        %parallel_loop3A_103 = arith.cmpi slt, %parallel_loop3A_98, %parallel_loop3A_102 : vector<16xi32>
        %parallel_loop3A_104 = arith.constant 16 : i32
        %parallel_loop3A_105 = vector.broadcast %parallel_loop3A_104 : i32 to vector<16xi32>
        %parallel_loop3A_106 = arith.addi %parallel_loop3A_98, %parallel_loop3A_105 : vector<16xi32>
        %parallel_loop3A_107 = arith.select %parallel_loop3A_103, %parallel_loop3A_106, %parallel_loop3A_98 : vector<16xi1>, vector<16xi32>
        %parallel_loop3A_108 = vector.shape_cast %parallel_loop3A_107 : vector<16xi32> to vector<16x1xi32>
        %parallel_loop3A_109 = vector.shape_cast %parallel_loop3A_108 : vector<16x1xi32> to vector<16xi32>
        %parallel_loop3A_110 = tpu.dynamic_gather %get3A_31[%parallel_loop3A_109] in [0] : vector<16xf32>, vector<16xi32> -> vector<16xf32>
        %parallel_loop3A_111 = arith.constant 0 : i32
        %parallel_loop3A_112 = vector.broadcast %parallel_loop3A_111 : i32 to vector<16xi32>
        %parallel_loop3A_113 = arith.cmpi slt, %parallel_loop3A_100, %parallel_loop3A_112 : vector<16xi32>
        %parallel_loop3A_114 = arith.constant 16 : i32
        %parallel_loop3A_115 = vector.broadcast %parallel_loop3A_114 : i32 to vector<16xi32>
        %parallel_loop3A_116 = arith.addi %parallel_loop3A_100, %parallel_loop3A_115 : vector<16xi32>
        %parallel_loop3A_117 = arith.select %parallel_loop3A_113, %parallel_loop3A_116, %parallel_loop3A_100 : vector<16xi1>, vector<16xi32>
        %parallel_loop3A_118 = vector.shape_cast %parallel_loop3A_117 : vector<16xi32> to vector<16x1xi32>
        %parallel_loop3A_119 = vector.shape_cast %parallel_loop3A_118 : vector<16x1xi32> to vector<16xi32>
        %parallel_loop3A_120 = tpu.dynamic_gather %get3A_31[%parallel_loop3A_119] in [0] : vector<16xf32>, vector<16xi32> -> vector<16xf32>
        %parallel_loop3A_121 = arith.addf %parallel_loop3A_110, %parallel_loop3A_120 : vector<16xf32>
        %parallel_loop3A_122 = arith.constant 0 : i32
        %parallel_loop3A_123 = vector.broadcast %parallel_loop3A_122 : i32 to vector<16xi32>
        %parallel_loop3A_124 = arith.cmpi slt, %parallel_loop3A_98, %parallel_loop3A_123 : vector<16xi32>
        %parallel_loop3A_125 = arith.constant 16 : i32
        %parallel_loop3A_126 = vector.broadcast %parallel_loop3A_125 : i32 to vector<16xi32>
        %parallel_loop3A_127 = arith.addi %parallel_loop3A_98, %parallel_loop3A_126 : vector<16xi32>
        %parallel_loop3A_128 = arith.select %parallel_loop3A_124, %parallel_loop3A_127, %parallel_loop3A_98 : vector<16xi1>, vector<16xi32>
        %parallel_loop3A_129 = vector.shape_cast %parallel_loop3A_128 : vector<16xi32> to vector<16x1xi32>
        %parallel_loop3A_130 = vector.shape_cast %parallel_loop3A_129 : vector<16x1xi32> to vector<16xi32>
        %parallel_loop3A_131 = tpu.dynamic_gather %get3A_33[%parallel_loop3A_130] in [0] : vector<16xf32>, vector<16xi32> -> vector<16xf32>
        %parallel_loop3A_132 = arith.constant 0 : i32
        %parallel_loop3A_133 = vector.broadcast %parallel_loop3A_132 : i32 to vector<16xi32>
        %parallel_loop3A_134 = arith.cmpi slt, %parallel_loop3A_100, %parallel_loop3A_133 : vector<16xi32>
        %parallel_loop3A_135 = arith.constant 16 : i32
        %parallel_loop3A_136 = vector.broadcast %parallel_loop3A_135 : i32 to vector<16xi32>
        %parallel_loop3A_137 = arith.addi %parallel_loop3A_100, %parallel_loop3A_136 : vector<16xi32>
        %parallel_loop3A_138 = arith.select %parallel_loop3A_134, %parallel_loop3A_137, %parallel_loop3A_100 : vector<16xi1>, vector<16xi32>
        %parallel_loop3A_139 = vector.shape_cast %parallel_loop3A_138 : vector<16xi32> to vector<16x1xi32>
        %parallel_loop3A_140 = vector.shape_cast %parallel_loop3A_139 : vector<16x1xi32> to vector<16xi32>
        %parallel_loop3A_141 = tpu.dynamic_gather %get3A_33[%parallel_loop3A_140] in [0] : vector<16xf32>, vector<16xi32> -> vector<16xf32>
        %parallel_loop3A_142 = arith.addf %parallel_loop3A_131, %parallel_loop3A_141 : vector<16xf32>
        %parallel_loop3A_143 = vector.bitcast %parallel_loop3A_93 : vector<16xf32> to vector<16xi32>
        %parallel_loop3A_144 = arith.constant 1 : i32
        %parallel_loop3A_145 = vector.broadcast %parallel_loop3A_144 : i32 to vector<16xi32>
        %parallel_loop3A_146 = arith.shrui %parallel_loop3A_143, %parallel_loop3A_145 : vector<16xi32>
        %parallel_loop3A_147 = arith.constant 1597463007 : i32
        %parallel_loop3A_148 = vector.broadcast %parallel_loop3A_147 : i32 to vector<16xi32>
        %parallel_loop3A_149 = arith.subi %parallel_loop3A_148, %parallel_loop3A_146 : vector<16xi32>
        %parallel_loop3A_150 = vector.bitcast %parallel_loop3A_149 : vector<16xi32> to vector<16xf32>
        %parallel_loop3A_151 = vector.broadcast %scan3A_35 : f32 to vector<16xf32>
        %parallel_loop3A_152 = arith.mulf %parallel_loop3A_151, %parallel_loop3A_93 : vector<16xf32>
        %parallel_loop3A_153 = arith.mulf %parallel_loop3A_152, %parallel_loop3A_150 : vector<16xf32>
        %parallel_loop3A_154 = arith.mulf %parallel_loop3A_153, %parallel_loop3A_150 : vector<16xf32>
        %parallel_loop3A_155 = vector.broadcast %scan3A_36 : f32 to vector<16xf32>
        %parallel_loop3A_156 = arith.subf %parallel_loop3A_155, %parallel_loop3A_154 : vector<16xf32>
        %parallel_loop3A_157 = arith.mulf %parallel_loop3A_150, %parallel_loop3A_156 : vector<16xf32>
        %parallel_loop3A_158 = arith.mulf %parallel_loop3A_152, %parallel_loop3A_157 : vector<16xf32>
        %parallel_loop3A_159 = arith.mulf %parallel_loop3A_158, %parallel_loop3A_157 : vector<16xf32>
        %parallel_loop3A_160 = vector.broadcast %scan3A_36 : f32 to vector<16xf32>
        %parallel_loop3A_161 = arith.subf %parallel_loop3A_160, %parallel_loop3A_159 : vector<16xf32>
        %parallel_loop3A_162 = arith.mulf %parallel_loop3A_157, %parallel_loop3A_161 : vector<16xf32>
        %parallel_loop3A_163 = arith.mulf %parallel_loop3A_93, %parallel_loop3A_162 : vector<16xf32>
        %parallel_loop3A_164 = arith.subf %parallel_loop3A_163, %parallel_loop3A_142 : vector<16xf32>
        %parallel_loop3A_165 = arith.mulf %parallel_loop3A_121, %parallel_loop3A_164 : vector<16xf32>
        %parallel_loop3A_166 = arith.mulf %parallel_loop3A_165, %parallel_loop3A_164 : vector<16xf32>
        %parallel_loop3A_167 = arith.cmpf olt, %parallel_loop3A_163, %parallel_loop3A_142 : vector<16xf32>
        %parallel_loop3A_168 = arith.select %parallel_loop3A_167, %parallel_loop3A_166, %broadcast_in_dim3A_3 : vector<16xi1>, vector<16xf32>
        %parallel_loop3A_169 = arith.addi %mul3A_11, %parallel_loop3A_87 : vector<16xi32>
        tpu.vector_store_idx %arg13[%parallel_loop3A_169], %parallel_loop3A_168 {add = true} : memref<2048xf32, #tpu.memory_space<vmem>>[vector<16xi32>], vector<16xf32>,
      } {sc.loop_unroll_factor = 5 : i64, sc.parallel_access}
      %add3A_59 = arith.constant 2 : i32
      %add3A_60 = arith.addi %mul3A_44, %add3A_59 : i32
      %lt3A = arith.constant 50 : i32
      %lt3A_61 = arith.cmpi slt, %add3A_60, %lt3A : i32
      %convert_element_type3A_62 = arith.extui %lt3A_61 : i1 to i32
      %cond3A_63 = arith.constant 0 : i32
      %cond3A_64 = arith.cmpi ne, %convert_element_type3A_62, %cond3A_63 : i32
      scf.if %cond3A_64 {
        %add3A_81 = arith.constant 2 : i32
        %add3A_82 = arith.addi %mul3A_44, %add3A_81 : i32
        %mul3A_83 = arith.constant 2000 : i32
        %mul3A_84 = arith.muli %add3A_82, %mul3A_83 : i32
        %add3A_85 = arith.addi %mul3A_2, %mul3A_84 : i32
        %dma_start3A_86 = tpu.memref_slice %arg3[%add3A_85] : memref<3200000xi32, #tpu.memory_space<hbm>> -> memref<2000xi32, #tpu.memory_space<hbm>>
        %dma_start3A_87 = tpu.memref_slice %arg3[%add3A_85] : memref<3200000xi32, #tpu.memory_space<hbm>> -> memref<2000xi32, #tpu.memory_space<hbm>>
        tpu.enqueue_dma source(%dma_start3A_87 : memref<2000xi32, #tpu.memory_space<hbm>>) target(%arg14 : memref<2000xi32, #tpu.memory_space<vmem>>) target_semaphore(%arg22 : memref<!tpu.dma_semaphore, #tpu.memory_space<semaphore_mem>>)
        %dma_start3A_88 = tpu.memref_slice %arg4[%add3A_85] : memref<3200000xi32, #tpu.memory_space<hbm>> -> memref<2000xi32, #tpu.memory_space<hbm>>
        %dma_start3A_89 = tpu.memref_slice %arg4[%add3A_85] : memref<3200000xi32, #tpu.memory_space<hbm>> -> memref<2000xi32, #tpu.memory_space<hbm>>
        tpu.enqueue_dma source(%dma_start3A_89 : memref<2000xi32, #tpu.memory_space<hbm>>) target(%arg15 : memref<2000xi32, #tpu.memory_space<vmem>>) target_semaphore(%arg22 : memref<!tpu.dma_semaphore, #tpu.memory_space<semaphore_mem>>)
        %dma_start3A_90 = tpu.memref_slice %arg5[%add3A_85] : memref<3200000xi32, #tpu.memory_space<hbm>> -> memref<2000xi32, #tpu.memory_space<hbm>>
        %dma_start3A_91 = tpu.memref_slice %arg5[%add3A_85] : memref<3200000xi32, #tpu.memory_space<hbm>> -> memref<2000xi32, #tpu.memory_space<hbm>>
        tpu.enqueue_dma source(%dma_start3A_91 : memref<2000xi32, #tpu.memory_space<hbm>>) target(%arg16 : memref<2000xi32, #tpu.memory_space<vmem>>) target_semaphore(%arg22 : memref<!tpu.dma_semaphore, #tpu.memory_space<semaphore_mem>>)
        %dma_start3A_92 = tpu.memref_slice %arg6[%add3A_85] : memref<3200000xf32, #tpu.memory_space<hbm>> -> memref<2000xf32, #tpu.memory_space<hbm>>
        %dma_start3A_93 = tpu.memref_slice %arg6[%add3A_85] : memref<3200000xf32, #tpu.memory_space<hbm>> -> memref<2000xf32, #tpu.memory_space<hbm>>
        tpu.enqueue_dma source(%dma_start3A_93 : memref<2000xf32, #tpu.memory_space<hbm>>) target(%arg17 : memref<2000xf32, #tpu.memory_space<vmem>>) target_semaphore(%arg22 : memref<!tpu.dma_semaphore, #tpu.memory_space<semaphore_mem>>)
      } else {
      }
      %add3A_65 = arith.constant 1 : i32
      %add3A_66 = arith.addi %mul3A_44, %add3A_65 : i32
      %mul3A_67 = arith.constant 2000 : i32
      %mul3A_68 = arith.muli %add3A_66, %mul3A_67 : i32
      %add3A_69 = arith.addi %mul3A_2, %mul3A_68 : i32
      %dma_wait3A_70 = tpu.memref_slice %arg3[%add3A_69] : memref<3200000xi32, #tpu.memory_space<hbm>> -> memref<2000xi32, #tpu.memory_space<hbm>>
      %dma_wait3A_71 = tpu.memref_slice %arg3[%add3A_69] : memref<3200000xi32, #tpu.memory_space<hbm>> -> memref<2000xi32, #tpu.memory_space<hbm>>
      tpu.wait_dma2 semaphore(%arg23 : memref<!tpu.dma_semaphore, #tpu.memory_space<semaphore_mem>>) src(%dma_wait3A_71 : memref<2000xi32, #tpu.memory_space<hbm>>) dst(%arg18 : memref<2000xi32, #tpu.memory_space<vmem>>)
      %dma_wait3A_72 = tpu.memref_slice %arg4[%add3A_69] : memref<3200000xi32, #tpu.memory_space<hbm>> -> memref<2000xi32, #tpu.memory_space<hbm>>
      %dma_wait3A_73 = tpu.memref_slice %arg4[%add3A_69] : memref<3200000xi32, #tpu.memory_space<hbm>> -> memref<2000xi32, #tpu.memory_space<hbm>>
      tpu.wait_dma2 semaphore(%arg23 : memref<!tpu.dma_semaphore, #tpu.memory_space<semaphore_mem>>) src(%dma_wait3A_73 : memref<2000xi32, #tpu.memory_space<hbm>>) dst(%arg19 : memref<2000xi32, #tpu.memory_space<vmem>>)
      %dma_wait3A_74 = tpu.memref_slice %arg5[%add3A_69] : memref<3200000xi32, #tpu.memory_space<hbm>> -> memref<2000xi32, #tpu.memory_space<hbm>>
      %dma_wait3A_75 = tpu.memref_slice %arg5[%add3A_69] : memref<3200000xi32, #tpu.memory_space<hbm>> -> memref<2000xi32, #tpu.memory_space<hbm>>
      tpu.wait_dma2 semaphore(%arg23 : memref<!tpu.dma_semaphore, #tpu.memory_space<semaphore_mem>>) src(%dma_wait3A_75 : memref<2000xi32, #tpu.memory_space<hbm>>) dst(%arg20 : memref<2000xi32, #tpu.memory_space<vmem>>)
      %dma_wait3A_76 = tpu.memref_slice %arg6[%add3A_69] : memref<3200000xf32, #tpu.memory_space<hbm>> -> memref<2000xf32, #tpu.memory_space<hbm>>
      %dma_wait3A_77 = tpu.memref_slice %arg6[%add3A_69] : memref<3200000xf32, #tpu.memory_space<hbm>> -> memref<2000xf32, #tpu.memory_space<hbm>>
      tpu.wait_dma2 semaphore(%arg23 : memref<!tpu.dma_semaphore, #tpu.memory_space<semaphore_mem>>) src(%dma_wait3A_77 : memref<2000xf32, #tpu.memory_space<hbm>>) dst(%arg21 : memref<2000xf32, #tpu.memory_space<vmem>>)
      %parallel_loop3A_78 = arith.constant 0 : i32
      %parallel_loop3A_79 = arith.constant 125 : i32
      %parallel_loop3A_80 = arith.constant 1 : i32
      scf.for %parallel_loop3A_81 = %parallel_loop3A_78 to %parallel_loop3A_79 step %parallel_loop3A_80  : i32 {
        %parallel_loop3A_82 = arith.constant 16 : i32
        %parallel_loop3A_83 = arith.muli %parallel_loop3A_81, %parallel_loop3A_82 : i32
        %parallel_loop3A_84 = arith.constant 0 : i32
        %parallel_loop3A_85 = arith.addi %parallel_loop3A_83, %parallel_loop3A_84 : i32
        %parallel_loop3A_86 = arith.index_cast %parallel_loop3A_85 : i32 to index
        %parallel_loop3A_87 = tpu.vector_load %arg18[%parallel_loop3A_86] {strides = array<i32>} : memref<2000xi32, #tpu.memory_space<vmem>>, vector<16xi32>,
        %parallel_loop3A_88 = arith.index_cast %parallel_loop3A_85 : i32 to index
        %parallel_loop3A_89 = tpu.vector_load %arg19[%parallel_loop3A_88] {strides = array<i32>} : memref<2000xi32, #tpu.memory_space<vmem>>, vector<16xi32>,
        %parallel_loop3A_90 = arith.index_cast %parallel_loop3A_85 : i32 to index
        %parallel_loop3A_91 = tpu.vector_load %arg20[%parallel_loop3A_90] {strides = array<i32>} : memref<2000xi32, #tpu.memory_space<vmem>>, vector<16xi32>,
        %parallel_loop3A_92 = arith.index_cast %parallel_loop3A_85 : i32 to index
        %parallel_loop3A_93 = tpu.vector_load %arg21[%parallel_loop3A_92] {strides = array<i32>} : memref<2000xf32, #tpu.memory_space<vmem>>, vector<16xf32>,
        %parallel_loop3A_94 = arith.constant 1000 : i32
        %parallel_loop3A_95 = vector.broadcast %parallel_loop3A_94 : i32 to vector<16xi32>
        %parallel_loop3A_96 = arith.muli %parallel_loop3A_87, %parallel_loop3A_95 : vector<16xi32>
        %parallel_loop3A_97 = arith.addi %parallel_loop3A_96, %parallel_loop3A_89 : vector<16xi32>
        %parallel_loop3A_98 = tpu.vector_load_idx %arg10[%parallel_loop3A_97] : memref<100000xi32, #tpu.memory_space<vmem>>[vector<16xi32>], vector<16xi32>,
        %parallel_loop3A_99 = arith.addi %parallel_loop3A_96, %parallel_loop3A_91 : vector<16xi32>
        %parallel_loop3A_100 = tpu.vector_load_idx %arg10[%parallel_loop3A_99] : memref<100000xi32, #tpu.memory_space<vmem>>[vector<16xi32>], vector<16xi32>,
        %parallel_loop3A_101 = arith.constant 0 : i32
        %parallel_loop3A_102 = vector.broadcast %parallel_loop3A_101 : i32 to vector<16xi32>
        %parallel_loop3A_103 = arith.cmpi slt, %parallel_loop3A_98, %parallel_loop3A_102 : vector<16xi32>
        %parallel_loop3A_104 = arith.constant 16 : i32
        %parallel_loop3A_105 = vector.broadcast %parallel_loop3A_104 : i32 to vector<16xi32>
        %parallel_loop3A_106 = arith.addi %parallel_loop3A_98, %parallel_loop3A_105 : vector<16xi32>
        %parallel_loop3A_107 = arith.select %parallel_loop3A_103, %parallel_loop3A_106, %parallel_loop3A_98 : vector<16xi1>, vector<16xi32>
        %parallel_loop3A_108 = vector.shape_cast %parallel_loop3A_107 : vector<16xi32> to vector<16x1xi32>
        %parallel_loop3A_109 = vector.shape_cast %parallel_loop3A_108 : vector<16x1xi32> to vector<16xi32>
        %parallel_loop3A_110 = tpu.dynamic_gather %get3A_31[%parallel_loop3A_109] in [0] : vector<16xf32>, vector<16xi32> -> vector<16xf32>
        %parallel_loop3A_111 = arith.constant 0 : i32
        %parallel_loop3A_112 = vector.broadcast %parallel_loop3A_111 : i32 to vector<16xi32>
        %parallel_loop3A_113 = arith.cmpi slt, %parallel_loop3A_100, %parallel_loop3A_112 : vector<16xi32>
        %parallel_loop3A_114 = arith.constant 16 : i32
        %parallel_loop3A_115 = vector.broadcast %parallel_loop3A_114 : i32 to vector<16xi32>
        %parallel_loop3A_116 = arith.addi %parallel_loop3A_100, %parallel_loop3A_115 : vector<16xi32>
        %parallel_loop3A_117 = arith.select %parallel_loop3A_113, %parallel_loop3A_116, %parallel_loop3A_100 : vector<16xi1>, vector<16xi32>
        %parallel_loop3A_118 = vector.shape_cast %parallel_loop3A_117 : vector<16xi32> to vector<16x1xi32>
        %parallel_loop3A_119 = vector.shape_cast %parallel_loop3A_118 : vector<16x1xi32> to vector<16xi32>
        %parallel_loop3A_120 = tpu.dynamic_gather %get3A_31[%parallel_loop3A_119] in [0] : vector<16xf32>, vector<16xi32> -> vector<16xf32>
        %parallel_loop3A_121 = arith.addf %parallel_loop3A_110, %parallel_loop3A_120 : vector<16xf32>
        %parallel_loop3A_122 = arith.constant 0 : i32
        %parallel_loop3A_123 = vector.broadcast %parallel_loop3A_122 : i32 to vector<16xi32>
        %parallel_loop3A_124 = arith.cmpi slt, %parallel_loop3A_98, %parallel_loop3A_123 : vector<16xi32>
        %parallel_loop3A_125 = arith.constant 16 : i32
        %parallel_loop3A_126 = vector.broadcast %parallel_loop3A_125 : i32 to vector<16xi32>
        %parallel_loop3A_127 = arith.addi %parallel_loop3A_98, %parallel_loop3A_126 : vector<16xi32>
        %parallel_loop3A_128 = arith.select %parallel_loop3A_124, %parallel_loop3A_127, %parallel_loop3A_98 : vector<16xi1>, vector<16xi32>
        %parallel_loop3A_129 = vector.shape_cast %parallel_loop3A_128 : vector<16xi32> to vector<16x1xi32>
        %parallel_loop3A_130 = vector.shape_cast %parallel_loop3A_129 : vector<16x1xi32> to vector<16xi32>
        %parallel_loop3A_131 = tpu.dynamic_gather %get3A_33[%parallel_loop3A_130] in [0] : vector<16xf32>, vector<16xi32> -> vector<16xf32>
        %parallel_loop3A_132 = arith.constant 0 : i32
        %parallel_loop3A_133 = vector.broadcast %parallel_loop3A_132 : i32 to vector<16xi32>
        %parallel_loop3A_134 = arith.cmpi slt, %parallel_loop3A_100, %parallel_loop3A_133 : vector<16xi32>
        %parallel_loop3A_135 = arith.constant 16 : i32
        %parallel_loop3A_136 = vector.broadcast %parallel_loop3A_135 : i32 to vector<16xi32>
        %parallel_loop3A_137 = arith.addi %parallel_loop3A_100, %parallel_loop3A_136 : vector<16xi32>
        %parallel_loop3A_138 = arith.select %parallel_loop3A_134, %parallel_loop3A_137, %parallel_loop3A_100 : vector<16xi1>, vector<16xi32>
        %parallel_loop3A_139 = vector.shape_cast %parallel_loop3A_138 : vector<16xi32> to vector<16x1xi32>
        %parallel_loop3A_140 = vector.shape_cast %parallel_loop3A_139 : vector<16x1xi32> to vector<16xi32>
        %parallel_loop3A_141 = tpu.dynamic_gather %get3A_33[%parallel_loop3A_140] in [0] : vector<16xf32>, vector<16xi32> -> vector<16xf32>
        %parallel_loop3A_142 = arith.addf %parallel_loop3A_131, %parallel_loop3A_141 : vector<16xf32>
        %parallel_loop3A_143 = vector.bitcast %parallel_loop3A_93 : vector<16xf32> to vector<16xi32>
        %parallel_loop3A_144 = arith.constant 1 : i32
        %parallel_loop3A_145 = vector.broadcast %parallel_loop3A_144 : i32 to vector<16xi32>
        %parallel_loop3A_146 = arith.shrui %parallel_loop3A_143, %parallel_loop3A_145 : vector<16xi32>
        %parallel_loop3A_147 = arith.constant 1597463007 : i32
        %parallel_loop3A_148 = vector.broadcast %parallel_loop3A_147 : i32 to vector<16xi32>
        %parallel_loop3A_149 = arith.subi %parallel_loop3A_148, %parallel_loop3A_146 : vector<16xi32>
        %parallel_loop3A_150 = vector.bitcast %parallel_loop3A_149 : vector<16xi32> to vector<16xf32>
        %parallel_loop3A_151 = vector.broadcast %scan3A_35 : f32 to vector<16xf32>
        %parallel_loop3A_152 = arith.mulf %parallel_loop3A_151, %parallel_loop3A_93 : vector<16xf32>
        %parallel_loop3A_153 = arith.mulf %parallel_loop3A_152, %parallel_loop3A_150 : vector<16xf32>
        %parallel_loop3A_154 = arith.mulf %parallel_loop3A_153, %parallel_loop3A_150 : vector<16xf32>
        %parallel_loop3A_155 = vector.broadcast %scan3A_36 : f32 to vector<16xf32>
        %parallel_loop3A_156 = arith.subf %parallel_loop3A_155, %parallel_loop3A_154 : vector<16xf32>
        %parallel_loop3A_157 = arith.mulf %parallel_loop3A_150, %parallel_loop3A_156 : vector<16xf32>
        %parallel_loop3A_158 = arith.mulf %parallel_loop3A_152, %parallel_loop3A_157 : vector<16xf32>
        %parallel_loop3A_159 = arith.mulf %parallel_loop3A_158, %parallel_loop3A_157 : vector<16xf32>
        %parallel_loop3A_160 = vector.broadcast %scan3A_36 : f32 to vector<16xf32>
        %parallel_loop3A_161 = arith.subf %parallel_loop3A_160, %parallel_loop3A_159 : vector<16xf32>
        %parallel_loop3A_162 = arith.mulf %parallel_loop3A_157, %parallel_loop3A_161 : vector<16xf32>
        %parallel_loop3A_163 = arith.mulf %parallel_loop3A_93, %parallel_loop3A_162 : vector<16xf32>
        %parallel_loop3A_164 = arith.subf %parallel_loop3A_163, %parallel_loop3A_142 : vector<16xf32>
        %parallel_loop3A_165 = arith.mulf %parallel_loop3A_121, %parallel_loop3A_164 : vector<16xf32>
        %parallel_loop3A_166 = arith.mulf %parallel_loop3A_165, %parallel_loop3A_164 : vector<16xf32>
        %parallel_loop3A_167 = arith.cmpf olt, %parallel_loop3A_163, %parallel_loop3A_142 : vector<16xf32>
        %parallel_loop3A_168 = arith.select %parallel_loop3A_167, %parallel_loop3A_166, %broadcast_in_dim3A_3 : vector<16xi1>, vector<16xf32>
        %parallel_loop3A_169 = arith.addi %mul3A_11, %parallel_loop3A_87 : vector<16xi32>
        tpu.vector_store_idx %arg13[%parallel_loop3A_169], %parallel_loop3A_168 {add = true} : memref<2048xf32, #tpu.memory_space<vmem>>[vector<16xi32>], vector<16xf32>,
      } {sc.loop_unroll_factor = 5 : i64, sc.parallel_access}
    }
    %scan3A_41 = arith.constant 25 : i32
    "tpu.region"() ({
      %run_scoped3A = tpu.sem_alloc : memref<!tpu.dma_semaphore, #tpu.memory_space<semaphore_mem>>
      %dma_start3A_42 = arith.constant 0 : i32
      %dma_start3A_43 = tpu.memref_slice %arg9[%add3A, %dma_start3A_42] : memref<32x2048xf32, #tpu.memory_space<hbm>> -> memref<1x2048xf32, #tpu.memory_space<hbm>>
      %dma_start3A_44 = tpu.memref_squeeze %dma_start3A_43 : memref<1x2048xf32, #tpu.memory_space<hbm>> -> memref<2048xf32, #tpu.memory_space<hbm>>
      %dma_start3A_45 = arith.constant 0 : i32
      %dma_start3A_46 = tpu.memref_slice %arg9[%add3A, %dma_start3A_45] : memref<32x2048xf32, #tpu.memory_space<hbm>> -> memref<1x2048xf32, #tpu.memory_space<hbm>>
      %dma_start3A_47 = tpu.memref_squeeze %dma_start3A_46 : memref<1x2048xf32, #tpu.memory_space<hbm>> -> memref<2048xf32, #tpu.memory_space<hbm>>
      tpu.enqueue_dma source(%arg13 : memref<2048xf32, #tpu.memory_space<vmem>>) target(%dma_start3A_47 : memref<2048xf32, #tpu.memory_space<hbm>>) target_semaphore(%run_scoped3A : memref<!tpu.dma_semaphore, #tpu.memory_space<semaphore_mem>>)
      %dma_wait3A = arith.constant 0 : i32
      %dma_wait3A_48 = tpu.memref_slice %arg9[%add3A, %dma_wait3A] : memref<32x2048xf32, #tpu.memory_space<hbm>> -> memref<1x2048xf32, #tpu.memory_space<hbm>>
      %dma_wait3A_49 = tpu.memref_squeeze %dma_wait3A_48 : memref<1x2048xf32, #tpu.memory_space<hbm>> -> memref<2048xf32, #tpu.memory_space<hbm>>
      %dma_wait3A_50 = arith.constant 0 : i32
      %dma_wait3A_51 = tpu.memref_slice %arg9[%add3A, %dma_wait3A_50] : memref<32x2048xf32, #tpu.memory_space<hbm>> -> memref<1x2048xf32, #tpu.memory_space<hbm>>
      %dma_wait3A_52 = tpu.memref_squeeze %dma_wait3A_51 : memref<1x2048xf32, #tpu.memory_space<hbm>> -> memref<2048xf32, #tpu.memory_space<hbm>>
      tpu.wait_dma2 semaphore(%run_scoped3A : memref<!tpu.dma_semaphore, #tpu.memory_space<semaphore_mem>>) src(%arg13 : memref<2048xf32, #tpu.memory_space<vmem>>) dst(%dma_wait3A_52 : memref<2048xf32, #tpu.memory_space<hbm>>)
      tpu.yield
    }) : () -> ()
    return
  }
}

</mosaic_0001>

<sc_bundles>
// kernel: kernel.3.cloned.1.call-start
scs
__scs_entry_jumppad:
0x0: {  	(pc) =	sbr.rel $0x88, $3  }
0x1: {  	(tag) =	ssettag $0x0;
	lr =	simm.s32 $0x1  }
0x2: {  	[smem:$0x3F9A] =	sst lr;
	_ =	strace $0xD0000000  }
0x3: {  	_ = 	snop  }
0x4: {  	_ = 	snop  }
0x5: {  	_ = 	snop  }
0x6: {  	_ = 	snop  }
0x7: {  	_ = 	snop  }
__scs_overlays_trampoline_lowered:
0x8: {  	[smem:$0x3FA9] =	sst s0  }
0x9: {  	[smem:$0x3FAA] =	sst s1  }
0xa: {  	[smem:$0x3FAB] =	sst s2  }
0xb: {  	[smem:$0x3FAC] =	sst s3  }
0xc: {  	[smem:$0x3FAD] =	sst s4  }
0xd: {  	[smem:$0x3FAE] =	sst s5  }
0xe: {  	[smem:$0x3FAF] =	sst s6  }
0xf: {  	[smem:$0x3FB0] =	sst s7  }
0x10: {  	[smem:$0x3FB1] =	sst s8  }
0x11: {  	[smem:$0x3FB2] =	sst s9;
	s0 =	simm.s32 @!p0 $0x0  }
0x12: {  	s1 =	sld [smem:$0x3F98];
	s0 =	simm.s32 @p0 $0x1  }
0x13: {  	[smem:$0x3FB3] =	sst s0;
	s0 =	simm.s32 @!p1 $0x0  }
0x14: {  	s2 =	sld [smem:$0x3F97];
	s0 =	simm.s32 @p1 $0x1  }
0x15: {  	[smem:$0x3FB4] =	sst s0;
	s0 =	simm.s32 @!p2 $0x0  }
0x16: {  	s3 =	sld [smem:$0x3FDB];
	s0 =	simm.s32 @p2 $0x1  }
0x17: {  	s4 =	simm.s32 $0x1BF5;
	[smem:$0x3FB6] =	sst s0  }
0x18: {  	s0 =	sld [smem:$0x3F99];
	_ =	swait.ge [sflag:s4], $0x0  }
0x19: {  	s7 =	sld [smem:$0x3F9A]  }
0x1a: {  	s8 =	sadd.s32 $0xFFFFE003, lr  }
0x1b: {  	s9 =	sadd.s32 $0xFFFFFEF7, lr;
	s5 =	simm.s32 $0xFFFFFFFF;
	p2 =	slt.u32 s8, $0xFFFFF086  }
0x1c: {  	p1 =	slt.u32 s9, $0xF7A;
	s5 =	simm.s32 @!p2 $0x0  }
0x1d: {  	s5 =	simm.s32 @p1 $0x1;
	p0 =	seq.s32 s7, s2  }
0x1e: {  	s7 =	smul.u32 @!p0 $0xF7A, s2;
	p2 =	seq.s32 @!p0 s5, $0x0  }
0x1f: {  	s9 =	smul.u32 $0xF7A, s1;
	s8 =	simm.s32 @!p0 $0x1BF5;
	p2 =	por !p2, p0  }
0x20: {  	[sflag:s8] =	ssyncset.s32 @!p0 $0xFFFFF086;
	s6 =	sadd.s32 @!p0 s3, s7;
	s7 =	simm.s32 @!p0 $0x108  }
0x21: {  	s3 =	sadd.s32 s3, s9;
	s6 =	sadd.s32 @!p0 $0x88, s6;
	s7 =	simm.s32 @p2 $0x1082  }
0x22: {  	[simem:s7], [sflag:s8] =	dma.local @!p0 [hbm:s6], $0xF7A  }
0x23: {  	s9 =	sor.u32 $0xD0000000, s2;
	s6 =	simm.s32 $0x108;
	_ =	swait.ge @!p0 [sflag:s8], $0x0  }
0x24: {  	s3 =	sadd.s32 $0x88, s3;
	s6 =	simm.s32 @!p1 $0x1082;
	[sflag:s4] =	ssyncset.s32 $0xFFFFF086  }
0x25: {  	[simem:s6], [sflag:s4] =	dma.local [hbm:s3], $0xF7A  }
0x26: {  	[smem:$0x3F9A] =	sst s1;
	(tag) =	ssettag s2;
	_ =	strace s9  }
0x27: {  	s1 =	sld [smem:$0x3FAA]  }
0x28: {  	s2 =	sld [smem:$0x3FAB]  }
0x29: {  	s4 =	sld [smem:$0x3FAD]  }
0x2a: {  	p0 =	seq.s32 s5, $0x0;
	s5 =	sld [smem:$0x3FAE]  }
0x2b: {  	s6 =	sld [smem:$0x3FAF]  }
0x2c: {  	s7 =	sld [smem:$0x3FB0]  }
0x2d: {  	s3 =	simm.s32 $0x108;
	s8 =	sld [smem:$0x3FB1]  }
0x2e: {  	s3 =	simm.s32 @!p0 $0x1082;
	s9 =	sld [smem:$0x3FB2]  }
0x2f: {  	lr =	sadd.s32 s0, s3;
	s0 =	sld [smem:$0x3FA9]  }
0x30: {  	s3 =	sld [smem:$0x3FAC]  }
0x31: {  	[smem:$0x3FB5] =	sst s10  }
0x32: {  	s10 =	sld [smem:$0x3FB3];
	_ =	sdelay $0x3  }
0x33: {  	p0 =	seq.s32 s10, $0x1;
	s10 =	sld [smem:$0x3FB5];
	_ =	sdelay $0x3  }
0x34: {  	[smem:$0x3FB5] =	sst s10  }
0x35: {  	s10 =	sld [smem:$0x3FB4];
	_ =	sdelay $0x3  }
0x36: {  	p1 =	seq.s32 s10, $0x1;
	s10 =	sld [smem:$0x3FB5];
	_ =	sdelay $0x3  }
0x37: {  	[smem:$0x3FB5] =	sst s10  }
0x38: {  	s10 =	sld [smem:$0x3FB6]  }
0x39: {  	_ = 	snop;
	(pc) =	sbr.ind lr, $3  }
0x3a: {  	_ = 	snop  }
0x3b: {  	_ = 	snop  }
0x3c: {  	p2 =	seq.s32 s10, $0x1;
	s10 =	sld [smem:$0x3FB5]  }
0x3d: {  	_ =	shalt  }
0x3e: {  	_ =	shalt  }
0x3f: {  	_ =	shalt  }
0x40: {  	_ =	shalt  }
0x41: {  	_ =	shalt  }
0x42: {  	_ =	shalt  }
0x43: {  	_ =	shalt  }
0x44: {  	_ =	shalt  }
0x45: {  	_ =	shalt  }
0x46: {  	_ =	shalt  }
0x47: {  	_ =	shalt  }
0x48: {  	_ =	shalt  }
0x49: {  	_ =	shalt  }
0x4a: {  	_ =	shalt  }
0x4b: {  	_ =	shalt  }
0x4c: {  	_ =	shalt  }
0x4d: {  	_ =	shalt  }
0x4e: {  	_ =	shalt  }
0x4f: {  	_ =	shalt  }
0x50: {  	_ =	shalt  }
0x51: {  	_ =	shalt  }
0x52: {  	_ =	shalt  }
0x53: {  	_ =	shalt  }
0x54: {  	_ =	shalt  }
0x55: {  	_ =	shalt  }
0x56: {  	_ =	shalt  }
0x57: {  	_ =	shalt  }
0x58: {  	_ =	shalt  }
0x59: {  	_ =	shalt  }
0x5a: {  	_ =	shalt  }
0x5b: {  	_ =	shalt  }
0x5c: {  	_ =	shalt  }
0x5d: {  	_ =	shalt  }
0x5e: {  	_ =	shalt  }
0x5f: {  	_ =	shalt  }
0x60: {  	_ =	shalt  }
0x61: {  	_ =	shalt  }
0x62: {  	_ =	shalt  }
0x63: {  	_ =	shalt  }
0x64: {  	_ =	shalt  }
0x65: {  	_ =	shalt  }
0x66: {  	_ =	shalt  }
0x67: {  	_ =	shalt  }
0x68: {  	_ =	shalt  }
0x69: {  	_ =	shalt  }
0x6a: {  	_ =	shalt  }
0x6b: {  	_ =	shalt  }
0x6c: {  	_ =	shalt  }
0x6d: {  	_ =	shalt  }
0x6e: {  	_ =	shalt  }
0x6f: {  	_ =	shalt  }
0x70: {  	_ =	shalt  }
0x71: {  	_ =	shalt  }
0x72: {  	_ =	shalt  }
0x73: {  	_ =	shalt  }
0x74: {  	_ =	shalt  }
0x75: {  	_ =	shalt  }
0x76: {  	_ =	shalt  }
0x77: {  	_ =	shalt  }
0x78: {  	_ =	shalt  }
0x79: {  	_ =	shalt  }
0x7a: {  	_ =	shalt  }
0x7b: {  	_ =	shalt  }
0x7c: {  	_ =	shalt  }
0x7d: {  	_ =	shalt  }
0x7e: {  	_ =	shalt  }
0x7f: {  	_ =	shalt  }
0x80: {  	_ =	shalt  }
0x81: {  	_ =	shalt  }
0x82: {  	_ =	shalt  }
0x83: {  	_ =	shalt  }
0x84: {  	_ =	shalt  }
0x85: {  	_ =	shalt  }
0x86: {  	_ =	shalt  }
0x87: {  	_ =	shalt  }
.Lfunc_end0:
.L_simem_size_0:
called_computation_lowered:
.L_overlay_start_0:
0x88: {  	s2 =	sld [smem:$0x3FD9]  }
0x89: {  	s3 =	sld [smem:$0x3FFE];
	_ =	sdelay $0x1  }
0x8a: {  	s1 =	srdreg.scid  }
0x8b: {  	s0 =	sand.u32 $0x1, s1  }
0x8c: {  	s17 =	sshll.u32 s0, $0xA;
	s2 =	sadd.s32 s3, s2  }
0x8d: {  	s2 =	sadd.s32 s2, s17  }
0x8e: {  	[smem:$0x3FC1] =	sst s2  }
0x8f: {  	_ = 	snop  }
0x90: {  	s2 =	sld [smem:$0x3FC8]  }
0x91: {  	s18 =	sld [smem:$0x3FC7]  }
0x92: {  	s4 =	sld [smem:$0x3FC6]  }
0x93: {  	s5 =	sld [smem:$0x3FC5]  }
0x94: {  	s6 =	sld [smem:$0x3FC4]  }
0x95: {  	s7 =	sld [smem:$0x3FC3];
	(tm) =	ssettm $0x1  }
0x96: {  	s8 =	sld [smem:$0x3FFB];
	_ =	sdelay $0x3  }
0x97: {  	_ =	strace s8  }
0x98: {  	s8 =	sld [smem:$0x3FFC];
	_ =	sdelay $0x3  }
0x99: {  	_ =	strace s8  }
0x9a: {  	s8 =	sld [smem:$0x3FFD];
	_ =	sdelay $0x3  }
0x9b: {  	_ =	strace s8  }
0x9c: {  	_ =	strace $0x8FFFFFFF  }
0x9d: {  	s19 =	sld [smem:$0x3FDB];
	_ =	sdelay $0x1  }
0x9e: {  	s9 =	simm.s32 $_scs_section_size  }
0x9f: {  	s10 =	simm.s32 $_size__tile_overlayer_lowered;
	s11 =	simm.s32 $_tile_overlayer_lowered  }
0xa0: {  	s22 =	simm.s32 $0x1BFF;
	s21 =	sshll.u32 s11, $0x1;
	s8 =	sadd.s32 s9, s19  }
0xa1: {  	s12 =	simm.s32 $0x0;
	s20 =	sshll.u32 s10, $0x1;
	s10 =	sadd.s32 s21, s8  }
0xa2: {  	[timem:s12], [sflag:s22] =	dma.local [hbm:s10], s20  }
0xa3: {  	_ =	swait.ge [sflag:s22], s20  }
0xa4: {  	s9 =	ssub.s32 $0x0, s20;
	[sflag:s22] =	ssyncset.done $0x0  }
0xa5: {  	[sflag:s22] =	ssyncadd.s32 s9;
	_ =	sdelay $0x1  }
0xa6: {  	s23 =	simm.s32 $0x1B8B  }
0xa7: {  	_ =	swait.ge [sflag:s23], $0x1  }
0xa8: {  	[sflag:s23] =	ssyncset.done $0x0  }
0xa9: {  	s25 =	simm.s32 $0x1B8E;
	s24 =	sld [smem:$0x3FFE];
	[sflag:s23] =	ssyncadd.s32 $0xFFFFFFFF  }
0xaa: {  	s26 =	simm.s32 $execute0_lowered;
	[smem:$0x3FD2] =	sst s25  }
0xab: {  	s10 =	sshll.u32 s26, $0x1;
	_ =	strace $0x80000046;
	[dreg:$0x1] =	wrdreg $0xFFFFFFFF  }
0xac: {  	s28 =	simm.s32 $_size_execute0_lowered;
	s8 =	sadd.s32 s8, s10;
	[dreg:$0x0] =	wrdreg $0x0  }
0xad: {  	s10 =	sshll.u32 s28, $0x1;
	[dreg:$0x2] =	wrdreg s8  }
0xae: {  	[dreg:$0x3] =	wrdreg s10  }
0xaf: {  	[dreg:$0x4] =	wrdreg $0xC0  }
0xb0: {  	_ =	task [dreg:s12], $0x5FFFF  }
0xb1: {  	[dreg:$0x1] =	wrdreg $0xFFFFFFFF  }
0xb2: {  	[dreg:$0x0] =	wrdreg $0x60  }
0xb3: {  	[dreg:$0x2] =	wrdreg s24  }
0xb4: {  	[dreg:$0x3] =	wrdreg s2  }
0xb5: {  	[dreg:$0x4] =	wrdreg s18  }
0xb6: {  	[dreg:$0x5] =	wrdreg s4  }
0xb7: {  	[dreg:$0x6] =	wrdreg s5  }
0xb8: {  	[dreg:$0x7] =	wrdreg s6  }
0xb9: {  	[dreg:$0x8] =	wrdreg s7  }
0xba: {  	[dreg:$0x9] =	wrdreg $0x9  }
0xbb: {  	_ =	task.clear_ibuf [dreg:s12], $0xAFFFF;
	_ =	strace $0x90000046  }
0xbc: {  	s29 =	simm.s32 $0x9;
	_ =	strace $0x80000048  }
0xbd: {  	_ =	swait.ge [sflag:s29], $0x1  }
0xbe: {  	[sflag:s29] =	ssyncadd.s32 $0xFFFFFFFF  }
0xbf: {  	_ =	strace $0x90000048  }
0xc0: {  	_ =	sfence  }
0xc1: {  	s30 =	sld [smem:$0x0];
	_ =	sdelay $0x2  }
0xc2: {  	s31 =	sshll.u32 s1, $0xD;
	s1 =	sshrl.u32 s1, $0x2  }
0xc3: {  	s3 =	sand.u32 $0x4000, s31;
	s1 =	sadd.s32 s1, s30  }
0xc4: {  	s0 =	sor.u32 s3, s0;
	s1 =	sshll.u32 s1, $0x11  }
0xc5: {  	s0 =	sor.u32 s1, s0  }
0xc6: {  	s0 =	sadd.s32 $0x8F2B, s0  }
0xc7: {  	[sflag:s0] =	ssyncadd.remote.s32 $0x1  }
0xc8: {  	_ =	sfence.sel $0xFFFF  }
0xc9: {  	[dreg:$0x0] =	wrdreg $0xFFFFFFFF;
	(pc) =	sbr.abs _section_cstart, $3  }
0xca: {  	[dreg:$0x1] =	wrdreg $0xFFFFFFFF  }
0xcb: {  	_ =	task.clear_ibuf [dreg:s12], $0x2FFFF;
	_ =	strace $0x9FFFFFFF  }
0xcc: {  	(tm) =	ssettm $0x7FFFFFFF  }
0xcd: {  	_ =	shalt  }
tec
execute0_lowered:
.L_overlay_start_1:
0x0: {  	(tag) =	ssettag $0x1  }
0x1: {  	s10 =	rddreg [dreg:$0x0]  }
0x2: {  	s2 =	rddreg [dreg:$0x1]  }
0x3: {  	s3 =	rddreg [dreg:$0x2]  }
0x4: {  	s4 =	rddreg [dreg:$0x3]  }
0x5: {  	s6 =	rddreg [dreg:$0x4];
	s5 =	stileid.u32  }
0x6: {  	s0 =	srdreg.scid;
	s9 =	simm.s32 $0x0;
	s31 =	simm.s32 $0x3  }
0x7: {  	s22 =	simm.s32 $0x80;
	s23 =	simm.s32 $0x400;
	s24 =	simm.s32 $0x0  }
0x8: {  	s0 =	sand.u32 $0x1, s0;
	s1 =	sshll.u32 s5, $0x1;
	[smem:$0x7FF] =	sst s9  }
0x9: {  	s5 =	sshll.u32 s5, $0x9;
	s1 =	sor.u32 s0, s1;
	s0 =	ssub.s32 $0x2, s0  }
0xa: {  	_ =	strace $0x80000047;
	s5 =	sand.u32 $0x1800, s5;
	s7 =	smul.u32 $0x186A0, s1  }
0xb: {  	s8 =	sshrl.u32 s0, $0x1;
	s5 =	sadd.s32 s5, s10;
	s1 =	sshll.u32 s1, $0x4  }
0xc: {  	s0 =	ssub.s32 s0, s8;
	s1 =	sand.u32 $0x70, s1;
	s8 =	simm.s32 $0x18800  }
0xd: {  	s30 =	sshrl.u32 s7, $0x3;
	s12 =	sadd.s32 $0x7D0, s7;
	s1 =	sadd.s32 s1, s5  }
0xe: {  	s19 =	sadd.s32 $0xFA0, s7;
	s21 =	smax.u32 s0, $0x1;
	s5 =	simm.s32 $0x18780  }
0xf: {  	s7 =	simm.s32 $0x1;
	s0 =	simm.s32 $0x2;
	s10 =	sadd.s32 s2, s30  }
0x10: {  	s11 =	sadd.s32 s3, s30;
	s13 =	sadd.s32 s4, s30;
	s18 =	sshrl.u32 s12, $0x3  }
0x11: {  	v1 =	vlaneseq.u32;
	s14 =	sadd.s32 s6, s30;
	s20 =	sadd.s32 $0x3200, s1;
	s15 =	sadd.s32 s2, s18  }
0x12: {  	v0 =	vimm.f32 $0.0e+00;
	v1 =	vmul.u32 $0x80, v1;
	s16 =	sadd.s32 s3, s18;
	s17 =	sadd.s32 s4, s18;
	s18 =	sadd.s32 s6, s18  }
.LBB2_1:
0x13: {  	s1 =	simm.s32 $0x40;
	s25 =	simm.s32 $0x0  }
.LBB2_2:
0x14: {  	p0 =	sne.s32 s1, $0x1FC0;
	[tilespmem:s25+$0x18800] =	vst v0;
	s25 =	smov.u32 s1;
	s1 =	sadd.s32 $0x40, s1  }
.Ltmp0:
0x15: {  	(pc) =	sbr.rel @p0 .LBB2_2-.Ltmp0, $2  }
0x16: {  	_ =	sdelay $0x2  }
0x17: {  	s25 =	sshra.s32 s25, $0x2  }
0x18: {  	[tilespmem:s25+$0x18800] =	vst v0;
	s25 =	simm.s32 $0x0;
	s1 =	simm.s32 $0x19000  }
0x19: {  	[tilespmem:s1], [sflag:$0x1] =	stream.linear.gather [hbm4b:s10+s25], $0x7D0, $0x38;
	[tilespmem:$0x1D000] =	vst v63  }
0x1a: {  	s29 =	simm.s32 $0x19800  }
0x1b: {  	[tilespmem:s29], [sflag:$0x1] =	stream.linear.gather [hbm4b:s11+s25], $0x7D0, $0x38;
	[tilespmem:$0x1D000] =	vst v63  }
0x1c: {  	s30 =	simm.s32 $0x1A000  }
0x1d: {  	[tilespmem:s30], [sflag:$0x1] =	stream.linear.gather [hbm4b:s13+s25], $0x7D0, $0x38;
	[tilespmem:$0x1D000] =	vst v63  }
0x1e: {  	s26 =	simm.s32 $0x1A800  }
0x1f: {  	[tilespmem:s26], [sflag:$0x1] =	stream.linear.gather [hbm4b:s14+s25], $0x7D0, $0x38;
	[tilespmem:$0x1D000] =	vst v63  }
0x20: {  	s28 =	simm.s32 $0x1B000  }
0x21: {  	[tilespmem:s28], [sflag:$0x2] =	stream.linear.gather [hbm4b:s15+s25], $0x7D0, $0x38;
	[tilespmem:$0x1D000] =	vst v63  }
0x22: {  	s29 =	simm.s32 $0x1B800  }
0x23: {  	[tilespmem:s29], [sflag:$0x2] =	stream.linear.gather [hbm4b:s16+s25], $0x7D0, $0x38;
	[tilespmem:$0x1D000] =	vst v63  }
0x24: {  	s30 =	simm.s32 $0x1C000  }
0x25: {  	[tilespmem:s30], [sflag:$0x2] =	stream.linear.gather [hbm4b:s17+s25], $0x7D0, $0x38;
	[tilespmem:$0x1D000] =	vst v63  }
0x26: {  	s26 =	simm.s32 $0x1C800  }
0x27: {  	[tilespmem:s26], [sflag:$0x2] =	stream.linear.gather [hbm4b:s18+s25], $0x7D0, $0x38;
	[tilespmem:$0x1D000] =	vst v63  }
0x28: {  	s28 =	rddreg [dreg:$0x0]  }
0x29: {  	[tilespmem:s25], [sflag:$0x3] =	stream.linear.gather [hbm4b:s28+s25], $0x18700, $0x38;
	[tilespmem:$0x1D000] =	vst v63  }
0x2a: {  	_ =	swait.ge [sflag:s31], $0x18700  }
0x2b: {  	[sflag:s31] =	ssyncset.done $0x0  }
0x2c: {  	[sflag:s31] =	ssyncadd.s32 $0xFFFE7900  }
0x2d: {  	s26 =	simm.s32 $0x18700;
	s29 =	rddreg [dreg:$0x5]  }
0x2e: {  	[tilespmem:s26], [sflag:$0x3] =	stream.linear.gather [hbm4b:s29+s25], $0x80, $0x38;
	[tilespmem:$0x1D000] =	vst v63  }
0x2f: {  	_ =	swait.ge [sflag:s31], $0x80  }
0x30: {  	[sflag:s31] =	ssyncset.done $0x0  }
0x31: {  	[sflag:s31] =	ssyncadd.s32 $0xFFFFFF80  }
0x32: {  	s30 =	rddreg [dreg:$0x6]  }
0x33: {  	[tilespmem:s5], [sflag:$0x3] =	stream.linear.gather [hbm4b:s30+s25], $0x80, $0x38;
	[tilespmem:$0x1D000] =	vst v63  }
0x34: {  	_ =	swait.ge [sflag:s31], $0x80  }
0x35: {  	[sflag:s31] =	ssyncset.done $0x0  }
0x36: {  	[sflag:s31] =	ssyncadd.s32 $0xFFFFFF80  }
0x37: {  	v2 =	vld [tilespmem:$0x18700];
	_ =	sdelay $0x1  }
0x38: {  	v3 =	vld [tilespmem:$0x18780]  }
.LBB2_4:
0x39: {  	p0 =	seq.s32 s25, $0x0  }
0x3a: {  	s1 =	smul.u32 @!p0 $0xFA0, s25;
	_ =	sdelay $0x1  }
0x3b: {  	s1 =	sadd.s32 @!p0 s1, s12  }
0x3c: {  	s1 =	sshrl.u32 @!p0 s1, $0x3  }
0x3d: {  	s28 =	simm.s32 @!p0 $0x0;
	s29 =	simm.s32 @!p0 $0x1B000;
	s26 =	sadd.s32 @!p0 s2, s1  }
0x3e: {  	[tilespmem:s29], [sflag:$0x2] =	stream.linear.gather @!p0 [hbm4b:s26+s28], $0x7D0, $0x38;
	[tilespmem:$0x1D000] =	vst v63  }
0x3f: {  	s26 =	sadd.s32 @!p0 s3, s1;
	s29 =	simm.s32 @!p0 $0x1B800  }
0x40: {  	[tilespmem:s29], [sflag:$0x2] =	stream.linear.gather @!p0 [hbm4b:s26+s28], $0x7D0, $0x38;
	[tilespmem:$0x1D000] =	vst v63  }
0x41: {  	s26 =	sadd.s32 @!p0 s4, s1;
	s29 =	simm.s32 @!p0 $0x1C000  }
0x42: {  	[tilespmem:s29], [sflag:$0x2] =	stream.linear.gather @!p0 [hbm4b:s26+s28], $0x7D0, $0x38;
	[tilespmem:$0x1D000] =	vst v63  }
0x43: {  	s1 =	sadd.s32 @!p0 s6, s1;
	s26 =	simm.s32 @!p0 $0x1C800  }
0x44: {  	[tilespmem:s26], [sflag:$0x2] =	stream.linear.gather @!p0 [hbm4b:s1+s28], $0x7D0, $0x38;
	[tilespmem:$0x1D000] =	vst v63  }
0x45: {  	_ =	swait.ge [sflag:s7], $0x7D0  }
0x46: {  	[sflag:s7] =	ssyncset.done $0x0  }
0x47: {  	[sflag:s7] =	ssyncadd.s32 $0xFFFFF830  }
0x48: {  	_ =	swait.ge [sflag:s7], $0x7D0  }
0x49: {  	[sflag:s7] =	ssyncset.done $0x0  }
0x4a: {  	[sflag:s7] =	ssyncadd.s32 $0xFFFFF830  }
0x4b: {  	_ =	swait.ge [sflag:s7], $0x7D0  }
0x4c: {  	[sflag:s7] =	ssyncset.done $0x0  }
0x4d: {  	[sflag:s7] =	ssyncadd.s32 $0xFFFFF830  }
0x4e: {  	_ =	swait.ge [sflag:s7], $0x7D0  }
0x4f: {  	[sflag:s7] =	ssyncset.done $0x0  }
0x50: {  	s1 =	simm.s32 $0x19020;
	[sflag:s7] =	ssyncadd.s32 $0xFFFFF830  }
0x51: {  	s29 =	simm.s32 $0x1A820;
	v5 =	vld [tilespmem:s1+$0x20]  }
0x52: {  	v6 =	vld [tilespmem:s29+$0xFFFFFFE0]  }
0x53: {  	s26 =	simm.s32 $0x19820;
	v12 =	vld [tilespmem:s29+$0x0]  }
0x54: {  	v7 =	vld [tilespmem:s26+$0x20]  }
0x55: {  	v8 =	vld [tilespmem:s1+$0x0]  }
0x56: {  	v9 =	vld [tilespmem:s29+$0xFFFFFFF0]  }
0x57: {  	v17 =	vld [tilespmem:s1+$0x10]  }
0x58: {  	v24 =	vld [tilespmem:s1+$0xFFFFFFF0]  }
0x59: {  	v10 =	vld [tilespmem:s26+$0x0];
	v11 =	vshrl.u32 v6, $0x1;
	v13 =	vmul.f32 $5.000000000e-01, v6  }
0x5a: {  	s28 =	simm.s32 $0x1A020;
	v32 =	vld [tilespmem:s29+$0x20];
	v4 =	vadd.s32 v1, v5;
	v16 =	vmul.u32 $0x3E8, v5;
	v20 =	vmul.u32 $0x3E8, v8  }
0x5b: {  	v14 =	vld [tilespmem:s28+$0x0];
	v21 =	vmul.f32 $5.000000000e-01, v12;
	v23 =	vshrl.u32 v9, $0x1;
	v15 =	vsub.s32 $0x5F3759DF, v11  }
0x5c: {  	v25 =	vmul.f32 $5.000000000e-01, v9;
	v27 =	vmul.u32 $0x3E8, v17;
	v5 =	vmul.f32 v15, v13  }
0x5d: {  	v18 =	vld [tilespmem:s28+$0x10];
	v31 =	vmul.u32 $0x3E8, v24;
	v11 =	vshrl.u32 v12, $0x1;
	v22 =	vadd.s32 v7, v16  }
0x5e: {  	v19 =	vsub.s32 $0x5F3759DF, v11;
	v11 =	vld [tilespmem:s29+$0x10];
	v10 =	vadd.s32 v10, v20;
	v5 =	vmul.f32 v15, v5  }
0x5f: {  	v34 =	vshrl.u32 v32, $0x1;
	v37 =	vmul.f32 $5.000000000e-01, v32;
	v7 =	vld [tilespmem:s1+$0xFFFFFFE0];
	v26 =	vmul.f32 v19, v21  }
0x60: {  	v28 =	vld [tilespmem:s26+$0xFFFFFFF0];
	v23 =	vsub.s32 $0x5F3759DF, v23;
	v14 =	vadd.s32 v20, v14;
	v20 =	vsub.f32 $1.500000000e+00, v5  }
0x61: {  	v26 =	vmul.f32 v19, v26;
	v5 =	vadd.s32 v1, v8;
	v8 =	vadd.s32 v1, v17;
	v17 =	vld [tilespmem:s28+$0xFFFFFFE0]  }
0x62: {  	v18 =	vadd.s32 v27, v18;
	v22 =	vld.idx.msk [tilespmem:v22+s9+$0x0], $0xffff;
	v33 =	vmul.f32 v15, v20;
	v15 =	vmul.f32 v23, v25  }
0x63: {  	v30 =	vmul.f32 $5.000000000e-01, v11;
	v35 =	vld.idx.msk [tilespmem:v10+s9+$0x0], $0xffff;
	v20 =	vsub.f32 $1.500000000e+00, v26;
	v26 =	vshrl.u32 v11, $0x1  }
0x64: {  	v29 =	vld [tilespmem:s26+$0x10];
	v36 =	vmul.u32 $0x3E8, v7;
	v26 =	vsub.s32 $0x5F3759DF, v26;
	v15 =	vmul.f32 v23, v15  }
0x65: {  	v34 =	vsub.s32 $0x5F3759DF, v34;
	v19 =	vmul.f32 v19, v20;
	v10 =	vmul.f32 v26, v30;
	v20 =	vld [tilespmem:s28+$0x20]  }
0x66: {  	v28 =	vadd.s32 v28, v31;
	v13 =	vmul.f32 v33, v13;
	v17 =	vadd.s32 v36, v17  }
0x67: {  	v14 =	vld.idx.msk [tilespmem:v14+s9+$0x0], $0xffff;
	v15 =	vsub.f32 $1.500000000e+00, v15;
	v38 =	vmul.f32 v26, v10;
	v10 =	vadd.s32 v1, v24  }
0x68: {  	v40 =	vld [tilespmem:s28+$0xFFFFFFF0];
	v56 =	vshrl.u32 v35, $0x1B;
	v39 =	vshrl.u32 v22, $0x1B;
	v13 =	vmul.f32 v13, v33  }
0x69: {  	v18 =	vld.idx.msk [tilespmem:v18+s9+$0x0], $0xffff;
	v23 =	vmul.f32 v23, v15;
	v15 =	vmul.f32 v19, v21;
	v24 =	vsub.f32 $1.500000000e+00, v38  }
0x6a: {  	v21 =	vadd.s32 v29, v27;
	v27 =	vmul.f32 v34, v37;
	v29 =	vld [tilespmem:s26+$0xFFFFFFE0];
	v16 =	vadd.s32 v16, v20  }
0x6b: {  	v20 =	vand.u32 $0x10, v39;
	v15 =	vmul.f32 v15, v19;
	v41 =	vmul.f32 v26, v24;
	v24 =	vld.idx.msk [tilespmem:v28+s9+$0x0], $0xffff  }
0x6c: {  	v26 =	vand.u32 $0x10, v56;
	v28 =	vshrl.u32 v14, $0x1B;
	v58 =	vld.idx.msk [tilespmem:v17+s9+$0x0], $0xffff;
	v17 =	vmul.f32 v34, v27  }
0x6d: {  	v61 =	vadd.s32 v22, v20;
	v20 =	vmul.f32 v23, v25;
	v26 =	vadd.s32 v35, v26  }
0x6e: {  	v57 =	vsub.f32 $1.500000000e+00, v15;
	v15 =	vand.u32 $0x10, v28;
	v28 =	vmul.f32 v41, v30  }
0x6f: {  	v17 =	vsub.f32 $1.500000000e+00, v17;
	v30 =	vperm.xlane v3, v26;
	v26 =	vperm.xlane v2, v26  }
0x70: {  	v14 =	vadd.s32 v14, v15;
	v15 =	vshrl.u32 v18, $0x1B;
	v21 =	vld.idx.msk [tilespmem:v21+s9+$0x0], $0xffff;
	v27 =	vadd.s32 v29, v36  }
0x71: {  	v29 =	vadd.s32 v31, v40;
	v15 =	vand.u32 $0x10, v15;
	v34 =	vmul.f32 v34, v17  }
0x72: {  	v16 =	vld.idx.msk [tilespmem:v16+s9+$0x0], $0xffff;
	v60 =	vperm.xlane v3, v14;
	v31 =	vadd.s32 v18, v15;
	v18 =	vshrl.u32 v24, $0x1B  }
0x73: {  	v14 =	vperm.xlane v2, v14;
	v38 =	vmul.f32 v57, v19;
	v17 =	vand.u32 $0x10, v18  }
0x74: {  	v19 =	vperm.xlane v2, v61;
	v15 =	vperm.xlane v3, v31;
	v18 =	vadd.s32 v24, v17  }
0x75: {  	v12 =	vmul.f32 v38, v12;
	v17 =	vperm.xlane v3, v18;
	v24 =	vshrl.u32 v21, $0x1B;
	v27 =	vld.idx.msk [tilespmem:v27+s9+$0x0], $0xffff  }
0x76: {  	v25 =	vld.idx.msk [tilespmem:v29+s9+$0x0], $0xffff;
	v62 =	vperm.xlane v2, v18;
	v22 =	vand.u32 $0x10, v24;
	v24 =	vmul.f32 v34, v37  }
0x77: {  	v21 =	vadd.s32 v21, v22;
	v22 =	vmul.f32 v28, v41;
	v28 =	vshrl.u32 v16, $0x1B  }
0x78: {  	v18 =	vand.u32 $0x10, v28;
	v24 =	vmul.f32 v24, v34;
	v28 =	vmul.f32 v20, v23  }
0x79: {  	v42 =	vsub.f32 $1.500000000e+00, v22;
	v20 =	vadd.s32 v16, v18;
	v22 =	vperm.xlane v3, v21  }
0x7a: {  	v59 =	vshrl.u32 v58, $0x1B;
	v21 =	vperm.xlane v2, v21;
	v16 =	vperm.xlane v2, v20  }
0x7b: {  	v24 =	vsub.f32 $1.500000000e+00, v24;
	v18 =	vshrl.u32 v27, $0x1B;
	v43 =	vshrl.u32 v25, $0x1B  }
0x7c: {  	v28 =	vsub.f32 $1.500000000e+00, v28;
	v29 =	vand.u32 $0x10, v18;
	v43 =	vand.u32 $0x10, v43  }
0x7d: {  	v18 =	vperm.xlane v3, v61;
	v43 =	vadd.s32 v25, v43;
	v34 =	vmul.f32 v24, v34  }
0x7e: {  	v25 =	vadd.s32 v27, v29;
	v29 =	vmul.f32 v28, v23;
	v24 =	vperm.xlane v2, v31  }
0x7f: {  	v23 =	vand.u32 $0x10, v59;
	v28 =	vadd.f32 v14, v26;
	v14 =	vsub.f32 $1.500000000e+00, v13  }
0x80: {  	v31 =	vmul.f32 v42, v41;
	v63 =	vperm.xlane v2, v43;
	v27 =	vadd.s32 v58, v23  }
0x81: {  	v23 =	vadd.f32 v60, v30;
	v26 =	vperm.xlane v3, v25;
	v30 =	vperm.xlane v2, v25  }
0x82: {  	v13 =	vmul.f32 v34, v32;
	v32 =	vmul.f32 v14, v33  }
0x83: {  	s30 =	simm.s32 $0x19070;
	s29 =	simm.s32 $0x0;
	s1 =	simm.s32 $0x1A870;
	v33 =	vperm.xlane v3, v43;
	v25 =	vadd.f32 v63, v62;
	v14 =	vsub.f32 v12, v23  }
.LBB2_5:
0x84: {  	v34 =	vld [tilespmem:s30+$0x20];
	s29 =	sadd.s32 $0x5, s29;
	v35 =	vperm.xlane v2, v27;
	v9 =	vmul.f32 v29, v9;
	v15 =	vadd.f32 v15, v22;
	s26 =	sadd.s32 $0x50, s26;
	s28 =	sadd.s32 $0x50, s28  }
0x85: {  	v22 =	vld [tilespmem:s26+$0x0];
	p0 =	slt.u32 s29, $0x78;
	v29 =	vmul.f32 v32, v6;
	v17 =	vadd.f32 v33, v17;
	v6 =	vmul.f32 v31, v11  }
0x86: {  	v20 =	vperm.xlane v3, v20;
	v28 =	vmul.f32 v14, v28;
	v31 =	vld [tilespmem:s28+$0x0];
	v11 =	vadd.f32 v35, v30  }
0x87: {  	v27 =	vperm.xlane v3, v27;
	v30 =	vld [tilespmem:s28+$0x10];
	v32 =	vsub.f32 v9, v17;
	v33 =	vsub.f32 v6, v15  }
0x88: {  	v21 =	vadd.f32 v24, v21;
	v14 =	vmul.f32 v28, v14;
	vm1 =	vlt.f32 v6, v15;
	v35 =	vld [tilespmem:s26+$0x10]  }
0x89: {  	vm0 =	vlt.f32 v12, v23;
	v26 =	vadd.f32 v27, v26;
	v15 =	vld [tilespmem:s26+$0xFFFFFFF0];
	v24 =	vadd.s32 v1, v34  }
0x8a: {  	v18 =	vadd.f32 v20, v18;
	v14 =	vnsel vm0, $0x0, v14;
	v21 =	vmul.f32 v33, v21;
	v6 =	vld [tilespmem:s1+$0xFFFFFFE0]  }
0x8b: {  	v16 =	vadd.f32 v16, v19;
	v20 =	vsub.f32 v29, v26;
	v23 =	vmul.f32 v32, v25;
	v12 =	vld [tilespmem:s1+$0x0]  }
0x8c: {  	vm2 =	vlt.f32 v9, v17;
	v17 =	vsub.f32 v13, v18;
	v9 =	vmul.f32 v21, v33;
	v19 =	vld [tilespmem:s28+$0xFFFFFFE0]  }
0x8d: {  	vm0 =	vlt.f32 v13, v18;
	v11 =	vmul.f32 v20, v11;
	v23 =	vmul.f32 v23, v32;
	v21 =	vld [tilespmem:s26+$0x20]  }
0x8e: {  	vm3 =	vlt.f32 v29, v26;
	v16 =	vmul.f32 v17, v16;
	v18 =	vnsel vm1, $0x0, v9;
	v13 =	vld [tilespmem:s30+$0x0]  }
0x8f: {  	v20 =	vmul.f32 v11, v20;
	v25 =	vshrl.u32 v6, $0x1;
	v26 =	vmul.f32 $5.000000000e-01, v6;
	v9 =	vld [tilespmem:s1+$0xFFFFFFF0]  }
0x90: {  	v29 =	vadd.s32 v1, v7;
	v28 =	vmul.u32 $0x3E8, v34;
	v25 =	vsub.s32 $0x5F3759DF, v25;
	v27 =	vld [tilespmem:s30+$0xFFFFFFF0]  }
0x91: {  	v23 =	vnsel vm2, $0x0, v23;
	v11 =	vshrl.u32 v12, $0x1;
	v7 =	vmul.f32 v25, v26;
	[tilespmem:v8+s8+$0x0] =	vst.idx.add.f32.msk $0xffff, v18  }
0x92: {  	v16 =	vmul.f32 v16, v17;
	v18 =	vsub.s32 $0x5F3759DF, v11;
	v8 =	vld [tilespmem:s30+$0x10];
	v21 =	vadd.s32 v21, v28  }
0x93: {  	v33 =	vmul.f32 $5.000000000e-01, v12;
	v17 =	vmul.f32 v25, v7;
	v32 =	vmul.u32 $0x3E8, v13;
	v11 =	vld [tilespmem:s1+$0x10]  }
0x94: {  	v20 =	vnsel vm3, $0x0, v20;
	v34 =	vshrl.u32 v9, $0x1;
	v36 =	vmul.f32 $5.000000000e-01, v9;
	[tilespmem:v5+s8+$0x0] =	vst.idx.add.f32.msk $0xffff, v14  }
0x95: {  	v14 =	vmul.f32 v18, v33;
	v7 =	vld [tilespmem:s30+$0xFFFFFFE0];
	v22 =	vadd.s32 v22, v32;
	v31 =	vadd.s32 v32, v31  }
0x96: {  	v16 =	vnsel vm0, $0x0, v16;
	v5 =	vadd.s32 v1, v13;
	v17 =	vsub.f32 $1.500000000e+00, v17;
	v13 =	vld [tilespmem:s1+$0x20]  }
0x97: {  	v32 =	vsub.s32 $0x5F3759DF, v34;
	v34 =	vmul.f32 v18, v14;
	v37 =	vmul.u32 $0x3E8, v8;
	[tilespmem:v10+s8+$0x0] =	vst.idx.add.f32.msk $0xffff, v23  }
0x98: {  	v14 =	vmul.f32 v25, v17;
	v10 =	vmul.f32 v32, v36;
	v8 =	vadd.s32 v1, v8;
	v21 =	vld.idx.msk [tilespmem:v21+s9+$0x0], $0xffff  }
0x99: {  	v17 =	vsub.f32 $1.500000000e+00, v34;
	v25 =	vshrl.u32 v11, $0x1;
	v23 =	vadd.s32 v37, v30;
	[tilespmem:v29+s8+$0x0] =	vst.idx.add.f32.msk $0xffff, v20  }
0x9a: {  	v20 =	vmul.f32 v14, v26;
	v25 =	vsub.s32 $0x5F3759DF, v25;
	v26 =	vmul.f32 $5.000000000e-01, v11;
	[tilespmem:v4+s8+$0x0] =	vst.idx.add.f32.msk $0xffff, v16;
	v4 =	vmovc v24  }
0x9b: {  	v10 =	vmul.f32 v32, v10;
	v16 =	vmul.u32 $0x3E8, v27;
	v22 =	vld.idx.msk [tilespmem:v22+s9+$0x0], $0xffff;
	v24 =	vshrl.u32 v13, $0x1  }
0x9c: {  	v29 =	vmul.u32 $0x3E8, v7;
	v30 =	vmul.f32 v18, v17;
	v17 =	vmul.f32 v25, v26;
	v18 =	vld [tilespmem:s28+$0x20]  }
0x9d: {  	v10 =	vsub.f32 $1.500000000e+00, v10;
	v34 =	vmul.f32 $5.000000000e-01, v13;
	v15 =	vadd.s32 v15, v16;
	v31 =	vld.idx.msk [tilespmem:v31+s9+$0x0], $0xffff  }
0x9e: {  	v19 =	vadd.s32 v29, v19;
	v24 =	vsub.s32 $0x5F3759DF, v24;
	v17 =	vmul.f32 v25, v17  }
0x9f: {  	v32 =	vmul.f32 v32, v10;
	v10 =	vadd.s32 v1, v27;
	v27 =	vmul.f32 v30, v33;
	v23 =	vld.idx.msk [tilespmem:v23+s9+$0x0], $0xffff  }
0xa0: {  	v35 =	vadd.s32 v35, v37;
	v37 =	vmul.f32 v24, v34;
	v17 =	vsub.f32 $1.500000000e+00, v17;
	v33 =	vld [tilespmem:s28+$0xFFFFFFF0]  }
0xa1: {  	v40 =	vshrl.u32 v21, $0x1B;
	v27 =	vmul.f32 v27, v30;
	v39 =	vshrl.u32 v22, $0x1B;
	v38 =	vld [tilespmem:s26+$0xFFFFFFE0]  }
0xa2: {  	v25 =	vmul.f32 v25, v17;
	v41 =	vld.idx.msk [tilespmem:v15+s9+$0x0], $0xffff;
	v15 =	vadd.s32 v28, v18;
	v18 =	vand.u32 $0x10, v40  }
0xa3: {  	v17 =	vand.u32 $0x10, v39;
	v27 =	vsub.f32 $1.500000000e+00, v27;
	v40 =	vld.idx.msk [tilespmem:v19+s9+$0x0], $0xffff;
	v19 =	vshrl.u32 v31, $0x1B  }
0xa4: {  	v28 =	vmul.f32 v24, v37;
	v26 =	vmul.f32 v25, v26;
	v19 =	vand.u32 $0x10, v19  }
0xa5: {  	v17 =	vadd.s32 v22, v17;
	v19 =	vadd.s32 v31, v19;
	v22 =	vld.idx.msk [tilespmem:v35+s9+$0x0], $0xffff;
	v31 =	vshrl.u32 v23, $0x1B  }
0xa6: {  	v28 =	vsub.f32 $1.500000000e+00, v28;
	v29 =	vadd.s32 v38, v29;
	v31 =	vand.u32 $0x10, v31  }
0xa7: {  	v16 =	vadd.s32 v16, v33;
	v33 =	vperm.xlane v3, v17;
	v23 =	vadd.s32 v23, v31;
	v31 =	vld.idx.msk [tilespmem:v15+s9+$0x0], $0xffff  }
0xa8: {  	v24 =	vmul.f32 v24, v28;
	v35 =	vshrl.u32 v41, $0x1B;
	v15 =	vperm.xlane v3, v23  }
0xa9: {  	v37 =	vperm.xlane v3, v19;
	v28 =	vshrl.u32 v40, $0x1B;
	v35 =	vand.u32 $0x10, v35  }
0xaa: {  	v38 =	vmul.f32 v20, v14;
	v20 =	vadd.s32 v41, v35;
	v35 =	vperm.xlane v2, v17  }
0xab: {  	v41 =	vadd.s32 v21, v18;
	v17 =	vperm.xlane v3, v20;
	v39 =	vshrl.u32 v22, $0x1B;
	v29 =	vld.idx.msk [tilespmem:v29+s9+$0x0], $0xffff  }
0xac: {  	v21 =	vmul.f32 v24, v34;
	v18 =	vand.u32 $0x10, v39;
	v42 =	vld.idx.msk [tilespmem:v16+s9+$0x0], $0xffff;
	v16 =	vmul.f32 v32, v36  }
0xad: {  	v18 =	vadd.s32 v22, v18;
	v22 =	vmul.f32 v26, v25;
	v26 =	vshrl.u32 v31, $0x1B  }
0xae: {  	v34 =	vperm.xlane v2, v20;
	v21 =	vmul.f32 v21, v24;
	v20 =	vand.u32 $0x10, v26  }
0xaf: {  	v26 =	vmul.f32 v16, v32;
	v36 =	vsub.f32 $1.500000000e+00, v22;
	v20 =	vadd.s32 v31, v20  }
0xb0: {  	v22 =	vperm.xlane v3, v18;
	v31 =	vsub.f32 $1.500000000e+00, v21;
	v16 =	vperm.xlane v2, v20  }
0xb1: {  	v21 =	vperm.xlane v2, v18;
	v39 =	vshrl.u32 v29, $0x1B;
	v26 =	vsub.f32 $1.500000000e+00, v26  }
0xb2: {  	v18 =	vperm.xlane v3, v41;
	v39 =	vand.u32 $0x10, v39;
	v43 =	vshrl.u32 v42, $0x1B  }
0xb3: {  	v30 =	vmul.f32 v27, v30;
	v44 =	vperm.xlane v2, v19;
	v43 =	vand.u32 $0x10, v43  }
0xb4: {  	v19 =	vperm.xlane v2, v41;
	v41 =	vmul.f32 v31, v24;
	v42 =	vadd.s32 v42, v43  }
0xb5: {  	v24 =	vperm.xlane v2, v23;
	v39 =	vadd.s32 v29, v39;
	v29 =	vmul.f32 v26, v32  }
.Ltmp1:
0xb6: {  	v23 =	vand.u32 $0x10, v28;
	v28 =	vadd.f32 v44, v35;
	v32 =	vperm.xlane v2, v42;
	(pc) =	sbr.rel @p0 .LBB2_5-.Ltmp1, $4  }
0xb7: {  	v12 =	vmul.f32 v30, v12;
	v27 =	vadd.s32 v40, v23;
	v23 =	vadd.f32 v37, v33  }
0xb8: {  	v31 =	vmul.f32 v36, v25;
	v33 =	vsub.f32 $1.500000000e+00, v38;
	v26 =	vperm.xlane v3, v39  }
0xb9: {  	v13 =	vmul.f32 v41, v13;
	v30 =	vperm.xlane v2, v39;
	v25 =	vadd.f32 v32, v34  }
0xba: {  	s30 =	sadd.s32 $0x50, s30;
	s1 =	sadd.s32 $0x50, s1;
	v32 =	vmul.f32 v33, v14;
	v33 =	vperm.xlane v3, v42;
	v14 =	vsub.f32 v12, v23  }
0xbb: {  	v34 =	vperm.xlane v2, v27;
	v9 =	vmul.f32 v29, v9  }
0xbc: {  	v15 =	vadd.f32 v15, v22;
	v11 =	vmul.f32 v31, v11;
	v27 =	vperm.xlane v3, v27  }
0xbd: {  	v20 =	vperm.xlane v3, v20;
	v21 =	vadd.f32 v24, v21;
	v16 =	vadd.f32 v16, v19  }
0xbe: {  	vm1 =	vlt.f32 v12, v23;
	v17 =	vadd.f32 v33, v17;
	v22 =	vadd.f32 v34, v30  }
0xbf: {  	v6 =	vmul.f32 v32, v6;
	v29 =	vsub.f32 v11, v15;
	v26 =	vadd.f32 v27, v26  }
0xc0: {  	v28 =	vmul.f32 v14, v28;
	v18 =	vadd.f32 v20, v18;
	v24 =	vsub.f32 v9, v17  }
0xc1: {  	vm0 =	vlt.f32 v11, v15;
	v21 =	vmul.f32 v29, v21;
	v11 =	vsub.f32 v6, v26  }
0xc2: {  	v14 =	vmul.f32 v28, v14;
	v20 =	vsub.f32 v13, v18;
	v15 =	vmul.f32 v24, v25  }
0xc3: {  	v7 =	vadd.s32 v1, v7;
	v19 =	vmul.f32 v21, v29;
	v12 =	vmul.f32 v11, v22  }
0xc4: {  	p0 =	seq.s32 s25, $0x18;
	v14 =	vnsel vm1, $0x0, v14;
	v16 =	vmul.f32 v20, v16;
	v15 =	vmul.f32 v15, v24  }
0xc5: {  	s1 =	smul.u32 @!p0 $0xFA0, s25;
	vm13 =	vlt.f32 v9, v17;
	[tilespmem:v5+s8+$0x0] =	vst.idx.add.f32.msk $0xffff, v14;
	v19 =	vnsel vm0, $0x0, v19;
	v9 =	vmul.f32 v12, v11  }
0xc6: {  	vm14 =	vlt.f32 v6, v26;
	[tilespmem:v8+s8+$0x0] =	vst.idx.add.f32.msk $0xffff, v19;
	v6 =	vnsel vm13, $0x0, v15;
	v8 =	vmul.f32 v16, v20  }
0xc7: {  	s1 =	sadd.s32 @!p0 s1, s19;
	vm15 =	vlt.f32 v13, v18;
	v5 =	vnsel vm14, $0x0, v9;
	[tilespmem:v10+s8+$0x0] =	vst.idx.add.f32.msk $0xffff, v6  }
0xc8: {  	s1 =	sshrl.u32 @!p0 s1, $0x3;
	v6 =	vnsel vm15, $0x0, v8;
	[tilespmem:v7+s8+$0x0] =	vst.idx.add.f32.msk $0xffff, v5  }
0xc9: {  	s28 =	simm.s32 @!p0 $0x0;
	s29 =	simm.s32 @!p0 $0x19000;
	s26 =	sadd.s32 @!p0 s2, s1;
	[tilespmem:v4+s8+$0x0] =	vst.idx.add.f32.msk $0xffff, v6  }
0xca: {  	[tilespmem:s29], [sflag:$0x1] =	stream.linear.gather @!p0 [hbm4b:s26+s28], $0x7D0, $0x38;
	[tilespmem:$0x1D000] =	vst v63  }
0xcb: {  	s26 =	sadd.s32 @!p0 s3, s1;
	s29 =	simm.s32 @!p0 $0x19800  }
0xcc: {  	[tilespmem:s29], [sflag:$0x1] =	stream.linear.gather @!p0 [hbm4b:s26+s28], $0x7D0, $0x38;
	[tilespmem:$0x1D000] =	vst v63  }
0xcd: {  	s26 =	sadd.s32 @!p0 s4, s1;
	s29 =	simm.s32 @!p0 $0x1A000  }
0xce: {  	[tilespmem:s29], [sflag:$0x1] =	stream.linear.gather @!p0 [hbm4b:s26+s28], $0x7D0, $0x38;
	[tilespmem:$0x1D000] =	vst v63  }
0xcf: {  	s1 =	sadd.s32 @!p0 s6, s1;
	s26 =	simm.s32 @!p0 $0x1A800  }
0xd0: {  	[tilespmem:s26], [sflag:$0x1] =	stream.linear.gather @!p0 [hbm4b:s1+s28], $0x7D0, $0x38;
	[tilespmem:$0x1D000] =	vst v63  }
0xd1: {  	_ =	swait.ge [sflag:s0], $0x7D0  }
0xd2: {  	[sflag:s0] =	ssyncset.done $0x0  }
0xd3: {  	[sflag:s0] =	ssyncadd.s32 $0xFFFFF830  }
0xd4: {  	_ =	swait.ge [sflag:s0], $0x7D0  }
0xd5: {  	[sflag:s0] =	ssyncset.done $0x0  }
0xd6: {  	[sflag:s0] =	ssyncadd.s32 $0xFFFFF830  }
0xd7: {  	_ =	swait.ge [sflag:s0], $0x7D0  }
0xd8: {  	[sflag:s0] =	ssyncset.done $0x0  }
0xd9: {  	[sflag:s0] =	ssyncadd.s32 $0xFFFFF830  }
0xda: {  	_ =	swait.ge [sflag:s0], $0x7D0  }
0xdb: {  	[sflag:s0] =	ssyncset.done $0x0  }
0xdc: {  	s1 =	simm.s32 $0x1B020;
	[sflag:s0] =	ssyncadd.s32 $0xFFFFF830  }
0xdd: {  	s29 =	simm.s32 $0x1C820;
	v5 =	vld [tilespmem:s1+$0x20]  }
0xde: {  	v6 =	vld [tilespmem:s29+$0xFFFFFFE0]  }
0xdf: {  	s26 =	simm.s32 $0x1B820;
	v12 =	vld [tilespmem:s29+$0x0]  }
0xe0: {  	v7 =	vld [tilespmem:s26+$0x20]  }
0xe1: {  	v8 =	vld [tilespmem:s1+$0x0]  }
0xe2: {  	v9 =	vld [tilespmem:s29+$0xFFFFFFF0]  }
0xe3: {  	v17 =	vld [tilespmem:s1+$0x10]  }
0xe4: {  	v24 =	vld [tilespmem:s1+$0xFFFFFFF0]  }
0xe5: {  	v10 =	vld [tilespmem:s26+$0x0];
	v11 =	vshrl.u32 v6, $0x1;
	v13 =	vmul.f32 $5.000000000e-01, v6  }
0xe6: {  	s28 =	simm.s32 $0x1C020;
	v53 =	vld [tilespmem:s29+$0x20];
	v4 =	vadd.s32 v1, v5;
	v16 =	vmul.u32 $0x3E8, v5;
	v20 =	vmul.u32 $0x3E8, v8  }
0xe7: {  	v14 =	vld [tilespmem:s28+$0x0];
	v21 =	vmul.f32 $5.000000000e-01, v12;
	v23 =	vshrl.u32 v9, $0x1;
	v15 =	vsub.s32 $0x5F3759DF, v11  }
0xe8: {  	v25 =	vmul.f32 $5.000000000e-01, v9;
	v27 =	vmul.u32 $0x3E8, v17;
	v5 =	vmul.f32 v15, v13  }
0xe9: {  	v18 =	vld [tilespmem:s28+$0x10];
	v31 =	vmul.u32 $0x3E8, v24;
	v11 =	vshrl.u32 v12, $0x1;
	v22 =	vadd.s32 v7, v16  }
0xea: {  	v19 =	vsub.s32 $0x5F3759DF, v11;
	v11 =	vld [tilespmem:s29+$0x10];
	v10 =	vadd.s32 v10, v20;
	v5 =	vmul.f32 v15, v5  }
0xeb: {  	v55 =	vshrl.u32 v53, $0x1;
	v37 =	vmul.f32 $5.000000000e-01, v53;
	v7 =	vld [tilespmem:s1+$0xFFFFFFE0];
	v26 =	vmul.f32 v19, v21  }
0xec: {  	v28 =	vld [tilespmem:s26+$0xFFFFFFF0];
	v23 =	vsub.s32 $0x5F3759DF, v23;
	v14 =	vadd.s32 v20, v14;
	v20 =	vsub.f32 $1.500000000e+00, v5  }
0xed: {  	v26 =	vmul.f32 v19, v26;
	v5 =	vadd.s32 v1, v8;
	v8 =	vadd.s32 v1, v17;
	v17 =	vld [tilespmem:s28+$0xFFFFFFE0]  }
0xee: {  	v18 =	vadd.s32 v27, v18;
	v22 =	vld.idx.msk [tilespmem:v22+s9+$0x0], $0xffff;
	v54 =	vmul.f32 v15, v20;
	v15 =	vmul.f32 v23, v25  }
0xef: {  	v30 =	vmul.f32 $5.000000000e-01, v11;
	v35 =	vld.idx.msk [tilespmem:v10+s9+$0x0], $0xffff;
	v20 =	vsub.f32 $1.500000000e+00, v26;
	v26 =	vshrl.u32 v11, $0x1  }
0xf0: {  	v29 =	vld [tilespmem:s26+$0x10];
	v36 =	vmul.u32 $0x3E8, v7;
	v26 =	vsub.s32 $0x5F3759DF, v26;
	v15 =	vmul.f32 v23, v15  }
0xf1: {  	v34 =	vsub.s32 $0x5F3759DF, v55;
	v19 =	vmul.f32 v19, v20;
	v10 =	vmul.f32 v26, v30;
	v20 =	vld [tilespmem:s28+$0x20]  }
0xf2: {  	v28 =	vadd.s32 v28, v31;
	v13 =	vmul.f32 v54, v13;
	v17 =	vadd.s32 v36, v17  }
0xf3: {  	v14 =	vld.idx.msk [tilespmem:v14+s9+$0x0], $0xffff;
	v15 =	vsub.f32 $1.500000000e+00, v15;
	v38 =	vmul.f32 v26, v10;
	v10 =	vadd.s32 v1, v24  }
0xf4: {  	v40 =	vld [tilespmem:s28+$0xFFFFFFF0];
	v56 =	vshrl.u32 v35, $0x1B;
	v39 =	vshrl.u32 v22, $0x1B;
	v13 =	vmul.f32 v13, v54  }
0xf5: {  	v18 =	vld.idx.msk [tilespmem:v18+s9+$0x0], $0xffff;
	v23 =	vmul.f32 v23, v15;
	v15 =	vmul.f32 v19, v21;
	v24 =	vsub.f32 $1.500000000e+00, v38  }
0xf6: {  	v21 =	vadd.s32 v29, v27;
	v27 =	vmul.f32 v34, v37;
	v29 =	vld [tilespmem:s26+$0xFFFFFFE0];
	v16 =	vadd.s32 v16, v20  }
0xf7: {  	v20 =	vand.u32 $0x10, v39;
	v15 =	vmul.f32 v15, v19;
	v41 =	vmul.f32 v26, v24;
	v24 =	vld.idx.msk [tilespmem:v28+s9+$0x0], $0xffff  }
0xf8: {  	v26 =	vand.u32 $0x10, v56;
	v28 =	vshrl.u32 v14, $0x1B;
	v58 =	vld.idx.msk [tilespmem:v17+s9+$0x0], $0xffff;
	v17 =	vmul.f32 v34, v27  }
0xf9: {  	v61 =	vadd.s32 v22, v20;
	v20 =	vmul.f32 v23, v25;
	v26 =	vadd.s32 v35, v26  }
0xfa: {  	v57 =	vsub.f32 $1.500000000e+00, v15;
	v15 =	vand.u32 $0x10, v28;
	v28 =	vmul.f32 v41, v30  }
0xfb: {  	v17 =	vsub.f32 $1.500000000e+00, v17;
	v30 =	vperm.xlane v3, v26;
	v26 =	vperm.xlane v2, v26  }
0xfc: {  	v14 =	vadd.s32 v14, v15;
	v15 =	vshrl.u32 v18, $0x1B;
	v21 =	vld.idx.msk [tilespmem:v21+s9+$0x0], $0xffff;
	v27 =	vadd.s32 v29, v36  }
0xfd: {  	v29 =	vadd.s32 v31, v40;
	v15 =	vand.u32 $0x10, v15;
	v34 =	vmul.f32 v34, v17  }
0xfe: {  	v16 =	vld.idx.msk [tilespmem:v16+s9+$0x0], $0xffff;
	v60 =	vperm.xlane v3, v14;
	v31 =	vadd.s32 v18, v15;
	v18 =	vshrl.u32 v24, $0x1B  }
0xff: {  	v14 =	vperm.xlane v2, v14;
	v38 =	vmul.f32 v57, v19;
	v17 =	vand.u32 $0x10, v18  }
0x100: {  	v19 =	vperm.xlane v2, v61;
	v15 =	vperm.xlane v3, v31;
	v18 =	vadd.s32 v24, v17  }
0x101: {  	v12 =	vmul.f32 v38, v12;
	v17 =	vperm.xlane v3, v18;
	v24 =	vshrl.u32 v21, $0x1B;
	v27 =	vld.idx.msk [tilespmem:v27+s9+$0x0], $0xffff  }
0x102: {  	v25 =	vld.idx.msk [tilespmem:v29+s9+$0x0], $0xffff;
	v62 =	vperm.xlane v2, v18;
	v22 =	vand.u32 $0x10, v24;
	v24 =	vmul.f32 v34, v37  }
0x103: {  	v21 =	vadd.s32 v21, v22;
	v22 =	vmul.f32 v28, v41;
	v28 =	vshrl.u32 v16, $0x1B  }
0x104: {  	v18 =	vand.u32 $0x10, v28;
	v24 =	vmul.f32 v24, v34;
	v28 =	vmul.f32 v20, v23  }
0x105: {  	v42 =	vsub.f32 $1.500000000e+00, v22;
	v20 =	vadd.s32 v16, v18;
	v22 =	vperm.xlane v3, v21  }
0x106: {  	v59 =	vshrl.u32 v58, $0x1B;
	v21 =	vperm.xlane v2, v21;
	v16 =	vperm.xlane v2, v20  }
0x107: {  	v24 =	vsub.f32 $1.500000000e+00, v24;
	v18 =	vshrl.u32 v27, $0x1B;
	v43 =	vshrl.u32 v25, $0x1B  }
0x108: {  	v28 =	vsub.f32 $1.500000000e+00, v28;
	v29 =	vand.u32 $0x10, v18;
	v43 =	vand.u32 $0x10, v43  }
0x109: {  	v18 =	vperm.xlane v3, v61;
	v43 =	vadd.s32 v25, v43;
	v34 =	vmul.f32 v24, v34  }
0x10a: {  	v25 =	vadd.s32 v27, v29;
	v29 =	vmul.f32 v28, v23;
	v24 =	vperm.xlane v2, v31  }
0x10b: {  	v23 =	vand.u32 $0x10, v59;
	v28 =	vadd.f32 v14, v26;
	v14 =	vsub.f32 $1.500000000e+00, v13  }
0x10c: {  	v31 =	vmul.f32 v42, v41;
	v63 =	vperm.xlane v2, v43;
	v27 =	vadd.s32 v58, v23  }
0x10d: {  	v23 =	vadd.f32 v60, v30;
	v26 =	vperm.xlane v3, v25;
	v30 =	vperm.xlane v2, v25  }
0x10e: {  	v33 =	vperm.xlane v3, v43;
	v13 =	vmul.f32 v34, v53  }
0x10f: {  	s30 =	simm.s32 $0x1B070;
	s29 =	simm.s32 $0x0;
	s1 =	simm.s32 $0x1C870;
	v32 =	vmul.f32 v14, v54;
	v25 =	vadd.f32 v63, v62;
	v14 =	vsub.f32 v12, v23  }
.LBB2_7:
0x110: {  	v34 =	vld [tilespmem:s30+$0x20];
	s29 =	sadd.s32 $0x5, s29;
	v35 =	vperm.xlane v2, v27;
	v9 =	vmul.f32 v29, v9;
	v15 =	vadd.f32 v15, v22;
	s26 =	sadd.s32 $0x50, s26;
	s28 =	sadd.s32 $0x50, s28  }
0x111: {  	v22 =	vld [tilespmem:s26+$0x0];
	p0 =	slt.u32 s29, $0x78;
	v29 =	vmul.f32 v32, v6;
	v17 =	vadd.f32 v33, v17;
	v6 =	vmul.f32 v31, v11  }
0x112: {  	v20 =	vperm.xlane v3, v20;
	v28 =	vmul.f32 v14, v28;
	v31 =	vld [tilespmem:s28+$0x0];
	v11 =	vadd.f32 v35, v30  }
0x113: {  	v27 =	vperm.xlane v3, v27;
	v30 =	vld [tilespmem:s28+$0x10];
	v32 =	vsub.f32 v9, v17;
	v33 =	vsub.f32 v6, v15  }
0x114: {  	v21 =	vadd.f32 v24, v21;
	v14 =	vmul.f32 v28, v14;
	vm1 =	vlt.f32 v6, v15;
	v35 =	vld [tilespmem:s26+$0x10]  }
0x115: {  	vm0 =	vlt.f32 v12, v23;
	v26 =	vadd.f32 v27, v26;
	v15 =	vld [tilespmem:s26+$0xFFFFFFF0];
	v24 =	vadd.s32 v1, v34  }
0x116: {  	v18 =	vadd.f32 v20, v18;
	v14 =	vnsel vm0, $0x0, v14;
	v21 =	vmul.f32 v33, v21;
	v6 =	vld [tilespmem:s1+$0xFFFFFFE0]  }
0x117: {  	v16 =	vadd.f32 v16, v19;
	v20 =	vsub.f32 v29, v26;
	v23 =	vmul.f32 v32, v25;
	v12 =	vld [tilespmem:s1+$0x0]  }
0x118: {  	vm2 =	vlt.f32 v9, v17;
	v17 =	vsub.f32 v13, v18;
	v9 =	vmul.f32 v21, v33;
	v19 =	vld [tilespmem:s28+$0xFFFFFFE0]  }
0x119: {  	vm0 =	vlt.f32 v13, v18;
	v11 =	vmul.f32 v20, v11;
	v23 =	vmul.f32 v23, v32;
	v21 =	vld [tilespmem:s26+$0x20]  }
0x11a: {  	vm3 =	vlt.f32 v29, v26;
	v16 =	vmul.f32 v17, v16;
	v18 =	vnsel vm1, $0x0, v9;
	v13 =	vld [tilespmem:s30+$0x0]  }
0x11b: {  	v20 =	vmul.f32 v11, v20;
	v25 =	vshrl.u32 v6, $0x1;
	v26 =	vmul.f32 $5.000000000e-01, v6;
	v9 =	vld [tilespmem:s1+$0xFFFFFFF0]  }
0x11c: {  	v29 =	vadd.s32 v1, v7;
	v28 =	vmul.u32 $0x3E8, v34;
	v25 =	vsub.s32 $0x5F3759DF, v25;
	v27 =	vld [tilespmem:s30+$0xFFFFFFF0]  }
0x11d: {  	v23 =	vnsel vm2, $0x0, v23;
	v11 =	vshrl.u32 v12, $0x1;
	v7 =	vmul.f32 v25, v26;
	[tilespmem:v8+s8+$0x0] =	vst.idx.add.f32.msk $0xffff, v18  }
0x11e: {  	v16 =	vmul.f32 v16, v17;
	v18 =	vsub.s32 $0x5F3759DF, v11;
	v8 =	vld [tilespmem:s30+$0x10];
	v21 =	vadd.s32 v21, v28  }
0x11f: {  	v33 =	vmul.f32 $5.000000000e-01, v12;
	v17 =	vmul.f32 v25, v7;
	v32 =	vmul.u32 $0x3E8, v13;
	v11 =	vld [tilespmem:s1+$0x10]  }
0x120: {  	v20 =	vnsel vm3, $0x0, v20;
	v34 =	vshrl.u32 v9, $0x1;
	v36 =	vmul.f32 $5.000000000e-01, v9;
	[tilespmem:v5+s8+$0x0] =	vst.idx.add.f32.msk $0xffff, v14  }
0x121: {  	v14 =	vmul.f32 v18, v33;
	v7 =	vld [tilespmem:s30+$0xFFFFFFE0];
	v22 =	vadd.s32 v22, v32;
	v31 =	vadd.s32 v32, v31  }
0x122: {  	v16 =	vnsel vm0, $0x0, v16;
	v5 =	vadd.s32 v1, v13;
	v17 =	vsub.f32 $1.500000000e+00, v17;
	v13 =	vld [tilespmem:s1+$0x20]  }
0x123: {  	v32 =	vsub.s32 $0x5F3759DF, v34;
	v34 =	vmul.f32 v18, v14;
	v37 =	vmul.u32 $0x3E8, v8;
	[tilespmem:v10+s8+$0x0] =	vst.idx.add.f32.msk $0xffff, v23  }
0x124: {  	v14 =	vmul.f32 v25, v17;
	v10 =	vmul.f32 v32, v36;
	v8 =	vadd.s32 v1, v8;
	v21 =	vld.idx.msk [tilespmem:v21+s9+$0x0], $0xffff  }
0x125: {  	v17 =	vsub.f32 $1.500000000e+00, v34;
	v25 =	vshrl.u32 v11, $0x1;
	v23 =	vadd.s32 v37, v30;
	[tilespmem:v29+s8+$0x0] =	vst.idx.add.f32.msk $0xffff, v20  }
0x126: {  	v20 =	vmul.f32 v14, v26;
	v25 =	vsub.s32 $0x5F3759DF, v25;
	v26 =	vmul.f32 $5.000000000e-01, v11;
	[tilespmem:v4+s8+$0x0] =	vst.idx.add.f32.msk $0xffff, v16;
	v4 =	vmovc v24  }
0x127: {  	v10 =	vmul.f32 v32, v10;
	v16 =	vmul.u32 $0x3E8, v27;
	v22 =	vld.idx.msk [tilespmem:v22+s9+$0x0], $0xffff;
	v24 =	vshrl.u32 v13, $0x1  }
0x128: {  	v29 =	vmul.u32 $0x3E8, v7;
	v30 =	vmul.f32 v18, v17;
	v17 =	vmul.f32 v25, v26;
	v18 =	vld [tilespmem:s28+$0x20]  }
0x129: {  	v10 =	vsub.f32 $1.500000000e+00, v10;
	v34 =	vmul.f32 $5.000000000e-01, v13;
	v15 =	vadd.s32 v15, v16;
	v31 =	vld.idx.msk [tilespmem:v31+s9+$0x0], $0xffff  }
0x12a: {  	v19 =	vadd.s32 v29, v19;
	v24 =	vsub.s32 $0x5F3759DF, v24;
	v17 =	vmul.f32 v25, v17  }
0x12b: {  	v32 =	vmul.f32 v32, v10;
	v10 =	vadd.s32 v1, v27;
	v27 =	vmul.f32 v30, v33;
	v23 =	vld.idx.msk [tilespmem:v23+s9+$0x0], $0xffff  }
0x12c: {  	v35 =	vadd.s32 v35, v37;
	v37 =	vmul.f32 v24, v34;
	v17 =	vsub.f32 $1.500000000e+00, v17;
	v33 =	vld [tilespmem:s28+$0xFFFFFFF0]  }
0x12d: {  	v40 =	vshrl.u32 v21, $0x1B;
	v27 =	vmul.f32 v27, v30;
	v39 =	vshrl.u32 v22, $0x1B;
	v38 =	vld [tilespmem:s26+$0xFFFFFFE0]  }
0x12e: {  	v25 =	vmul.f32 v25, v17;
	v41 =	vld.idx.msk [tilespmem:v15+s9+$0x0], $0xffff;
	v15 =	vadd.s32 v28, v18;
	v18 =	vand.u32 $0x10, v40  }
0x12f: {  	v17 =	vand.u32 $0x10, v39;
	v27 =	vsub.f32 $1.500000000e+00, v27;
	v40 =	vld.idx.msk [tilespmem:v19+s9+$0x0], $0xffff;
	v19 =	vshrl.u32 v31, $0x1B  }
0x130: {  	v28 =	vmul.f32 v24, v37;
	v26 =	vmul.f32 v25, v26;
	v19 =	vand.u32 $0x10, v19  }
0x131: {  	v17 =	vadd.s32 v22, v17;
	v19 =	vadd.s32 v31, v19;
	v22 =	vld.idx.msk [tilespmem:v35+s9+$0x0], $0xffff;
	v31 =	vshrl.u32 v23, $0x1B  }
0x132: {  	v28 =	vsub.f32 $1.500000000e+00, v28;
	v29 =	vadd.s32 v38, v29;
	v31 =	vand.u32 $0x10, v31  }
0x133: {  	v16 =	vadd.s32 v16, v33;
	v33 =	vperm.xlane v3, v17;
	v23 =	vadd.s32 v23, v31;
	v31 =	vld.idx.msk [tilespmem:v15+s9+$0x0], $0xffff  }
0x134: {  	v24 =	vmul.f32 v24, v28;
	v35 =	vshrl.u32 v41, $0x1B;
	v15 =	vperm.xlane v3, v23  }
0x135: {  	v37 =	vperm.xlane v3, v19;
	v28 =	vshrl.u32 v40, $0x1B;
	v35 =	vand.u32 $0x10, v35  }
0x136: {  	v38 =	vmul.f32 v20, v14;
	v20 =	vadd.s32 v41, v35;
	v35 =	vperm.xlane v2, v17  }
0x137: {  	v41 =	vadd.s32 v21, v18;
	v17 =	vperm.xlane v3, v20;
	v39 =	vshrl.u32 v22, $0x1B;
	v29 =	vld.idx.msk [tilespmem:v29+s9+$0x0], $0xffff  }
0x138: {  	v21 =	vmul.f32 v24, v34;
	v18 =	vand.u32 $0x10, v39;
	v42 =	vld.idx.msk [tilespmem:v16+s9+$0x0], $0xffff;
	v16 =	vmul.f32 v32, v36  }
0x139: {  	v18 =	vadd.s32 v22, v18;
	v22 =	vmul.f32 v26, v25;
	v26 =	vshrl.u32 v31, $0x1B  }
0x13a: {  	v34 =	vperm.xlane v2, v20;
	v21 =	vmul.f32 v21, v24;
	v20 =	vand.u32 $0x10, v26  }
0x13b: {  	v26 =	vmul.f32 v16, v32;
	v36 =	vsub.f32 $1.500000000e+00, v22;
	v20 =	vadd.s32 v31, v20  }
0x13c: {  	v22 =	vperm.xlane v3, v18;
	v31 =	vsub.f32 $1.500000000e+00, v21;
	v16 =	vperm.xlane v2, v20  }
0x13d: {  	v21 =	vperm.xlane v2, v18;
	v39 =	vshrl.u32 v29, $0x1B;
	v26 =	vsub.f32 $1.500000000e+00, v26  }
0x13e: {  	v18 =	vperm.xlane v3, v41;
	v39 =	vand.u32 $0x10, v39;
	v43 =	vshrl.u32 v42, $0x1B  }
0x13f: {  	v30 =	vmul.f32 v27, v30;
	v44 =	vperm.xlane v2, v19;
	v43 =	vand.u32 $0x10, v43  }
0x140: {  	v19 =	vperm.xlane v2, v41;
	v41 =	vmul.f32 v31, v24;
	v42 =	vadd.s32 v42, v43  }
0x141: {  	v24 =	vperm.xlane v2, v23;
	v39 =	vadd.s32 v29, v39;
	v29 =	vmul.f32 v26, v32  }
.Ltmp2:
0x142: {  	v23 =	vand.u32 $0x10, v28;
	v28 =	vadd.f32 v44, v35;
	v32 =	vperm.xlane v2, v42;
	(pc) =	sbr.rel @p0 .LBB2_7-.Ltmp2, $4  }
0x143: {  	v12 =	vmul.f32 v30, v12;
	v27 =	vadd.s32 v40, v23;
	v23 =	vadd.f32 v37, v33  }
0x144: {  	v31 =	vmul.f32 v36, v25;
	v33 =	vsub.f32 $1.500000000e+00, v38;
	v26 =	vperm.xlane v3, v39  }
0x145: {  	v13 =	vmul.f32 v41, v13;
	v30 =	vperm.xlane v2, v39;
	v25 =	vadd.f32 v32, v34  }
0x146: {  	s30 =	sadd.s32 $0x50, s30;
	s1 =	sadd.s32 $0x50, s1;
	v32 =	vmul.f32 v33, v14;
	v33 =	vperm.xlane v3, v42;
	v14 =	vsub.f32 v12, v23  }
0x147: {  	v34 =	vperm.xlane v2, v27;
	v9 =	vmul.f32 v29, v9  }
0x148: {  	v15 =	vadd.f32 v15, v22;
	v11 =	vmul.f32 v31, v11;
	v53 =	vperm.xlane v3, v27  }
0x149: {  	v20 =	vperm.xlane v3, v20;
	v21 =	vadd.f32 v24, v21;
	v16 =	vadd.f32 v16, v19  }
0x14a: {  	vm1 =	vlt.f32 v12, v23;
	v7 =	vadd.s32 v1, v7;
	v17 =	vadd.f32 v33, v17  }
0x14b: {  	v6 =	vmul.f32 v32, v6;
	v54 =	vsub.f32 v11, v15;
	v26 =	vadd.f32 v53, v26  }
0x14c: {  	v28 =	vmul.f32 v14, v28;
	v18 =	vadd.f32 v20, v18;
	v55 =	vsub.f32 v9, v17  }
0x14d: {  	v52 =	vadd.f32 v34, v30;
	v21 =	vmul.f32 v54, v21;
	v56 =	vsub.f32 v6, v26  }
0x14e: {  	v14 =	vmul.f32 v28, v14;
	v20 =	vsub.f32 v13, v18;
	v57 =	vmul.f32 v55, v25  }
0x14f: {  	s25 =	sadd.s32 $0x1, s25;
	vm0 =	vlt.f32 v11, v15;
	v58 =	vmul.f32 v21, v54;
	v59 =	vmul.f32 v56, v52  }
0x150: {  	p0 =	sne.s32 s25, $0x19;
	v14 =	vnsel vm1, $0x0, v14;
	v16 =	vmul.f32 v20, v16;
	v15 =	vmul.f32 v57, v55  }
.Ltmp3:
0x151: {  	vm13 =	vlt.f32 v9, v17;
	[tilespmem:v5+s8+$0x0] =	vst.idx.add.f32.msk $0xffff, v14;
	v19 =	vnsel vm0, $0x0, v58;
	v60 =	vmul.f32 v59, v56;
	(pc) =	sbr.rel @p0 .LBB2_4-.Ltmp3, $4  }
0x152: {  	vm14 =	vlt.f32 v6, v26;
	v62 =	vmul.f32 v16, v20;
	[tilespmem:v8+s8+$0x0] =	vst.idx.add.f32.msk $0xffff, v19;
	v61 =	vnsel vm13, $0x0, v15  }
0x153: {  	vm15 =	vlt.f32 v13, v18;
	v5 =	vnsel vm14, $0x0, v60;
	[tilespmem:v10+s8+$0x0] =	vst.idx.add.f32.msk $0xffff, v61  }
0x154: {  	v63 =	vnsel vm15, $0x0, v62;
	[tilespmem:v7+s8+$0x0] =	vst.idx.add.f32.msk $0xffff, v5  }
0x155: {  	[tilespmem:v4+s8+$0x0] =	vst.idx.add.f32.msk $0xffff, v63  }
0x156: {  	s24 =	sadd.s32 $0x1, s24  }
0x157: {  	p0 =	sne.s32 s24, s21  }
.Ltmp4:
0x158: {  	_ = 	snop;
	(pc) =	sbr.rel @p0 .LBB2_1-.Ltmp4, $4  }
0x159: {  	[hbm4b:s20+s22] =	stream.strided.scatter [tilespmem:s8], [sflag:$0x3], $0x800, s23, s22, $0x38;
	[tilespmem:$0x1D000] =	vst v63  }
0x15a: {  	_ =	swait.ge [sflag:s31], $0x800  }
0x15b: {  	[sflag:s31] =	ssyncset.done $0x0  }
0x15c: {  	[sflag:s31] =	ssyncadd.s32 $0xFFFFF800  }
0x15d: {  	_ =	sfence.sel $0x180000  }
0x15e: {  	[bflag:$0x0] =	sbarrier.arrive $0xFFFF  }
0x15f: {  	_ =	strace $0x90000047  }
0x160: {  	s0 =	stileid.u32;
	[bflag:$0x2] =	sbarrier.arrive $0xFFFF  }
0x161: {  	p0 =	sne.s32 s0, $0x0;
	s0 =	rddreg [dreg:$0x7]  }
0x162: {  	s0 =	sadd.s32 @!p0 $0x100000, s0  }
0x163: {  	[sflag:s0] =	ssyncadd.tile.s32 @!p0 $0x1;
	_ =	shalt  }
.Lfunc_end2:
_tile_overlayer_lowered:
.L_overlay_start_2:
0x164: {  	(tag) =	ssettag $0x2  }
0x165: {  	s0 =	rddreg [dreg:$0x0];
	s2 =	stileid.u32  }
0x166: {  	s1 =	rddreg [dreg:$0x1];
	p0 =	sne.s32 s2, $0x0  }
0x167: {  	s3 =	rddreg [dreg:$0x2];
	[bflag:$0x3] =	sbarrier.arrive $0xFFFF;
	s2 =	simm.s32 @!p0 $0x1C03  }
0x168: {  	[timem:s3], [sflag:s2] =	dma.local @!p0 [hbm:s0], s1  }
0x169: {  	s0 =	simm.s32 @!p0 $0x3  }
0x16a: {  	_ =	swait.ge @!p0 [sflag:s0], s1  }
0x16b: {  	s1 =	ssub.s32 @!p0 $0x0, s1;
	[sflag:s0] =	ssyncset.done @!p0 $0x0  }
0x16c: {  	[sflag:s0] =	ssyncadd.s32 @!p0 s1  }
0x16d: {  	[bflag:$0x3] =	sbarrier.arrive $0xFFFF  }
0x16e: {  	_ =	shalt  }

</sc_bundles>
